<compile_context>
chip_gen: v7x
topology: tpu7x:2x2x1
jax: 0.10.2.dev20260603
libtpu: 0.0.44.dev20260713+nightly
codegen_flags: <defaults>
</compile_context>

<pallas_src>
import functools

import jax
import jax.numpy as jnp
from jax import lax
from jax.experimental import pallas as pl
from jax.experimental.pallas import tpu as pltpu
from jax.experimental.pallas import tpu_sc as plsc

_STAGES = 3
_N = 4096
_E = 131072
_TOT = _STAGES * _E
_PLANE = _N * _N

_NC, _NS = 2, 16
_NW = _NC * _NS
_EPW = _E // _NW
_CH = 128
_NCH = _EPW // _CH
_PR = _E // _CH


def _prep_body(alphas_ref, rows_ref, cols_ref, *out_refs):
    a = alphas_ref[...]
    m = jnp.max(a)
    e = jnp.exp(a - m)
    w = e * (1.0 / jnp.sum(e))
    r = rows_ref[...]
    c = cols_ref[...]
    idx = r * _N + c
    for s in range(_STAGES):
        out_refs[s][...] = w[s * _PR:(s + 1) * _PR]
        out_refs[_STAGES + s][...] = idx[s * _PR:(s + 1) * _PR]


_prep = pl.pallas_call(
    _prep_body,
    out_shape=(
        [jax.ShapeDtypeStruct((_PR, _CH), jnp.float32) for _ in range(_STAGES)]
        + [jax.ShapeDtypeStruct((_PR, _CH), jnp.int32) for _ in range(_STAGES)]
    ),
)


def _zero_body(o_ref):
    o_ref[...] = jnp.zeros_like(o_ref)


_ZBLK = 2097152
_zeros = pl.pallas_call(
    _zero_body,
    grid=(_PLANE // _ZBLK,),
    out_specs=pl.BlockSpec((_ZBLK,), lambda i: (i,)),
    out_shape=jax.ShapeDtypeStruct((_PLANE,), jnp.float32),
)


def _make_sc_scatter(nplanes):

    @functools.partial(
        pl.kernel,
        mesh=plsc.VectorSubcoreMesh(core_axis_name="c", subcore_axis_name="s"),
        scratch_types=[
            pltpu.VMEM((nplanes * _NCH, _CH), jnp.int32),
            pltpu.VMEM((nplanes * _NCH, _CH), jnp.float32),
            pltpu.SemaphoreType.DMA,
        ],
        name=f"sc_scatter_overwrite_{nplanes}",
    )
    def _sc_scatter(*args):
        refs, (idx_v, w_v, sem) = args[:-3], args[-3:]
        idx_hbms = refs[0:nplanes]
        w_hbms = refs[nplanes:2 * nplanes]
        out_refs = refs[2 * nplanes:3 * nplanes]
        wid = lax.axis_index("s") * _NC + lax.axis_index("c")
        base = wid * _NCH
        for p in range(nplanes):
            pltpu.sync_copy(
                idx_hbms[p].at[pl.ds(base, _NCH)],
                idx_v.at[pl.ds(p * _NCH, _NCH)],
            )
            pltpu.sync_copy(
                w_hbms[p].at[pl.ds(base, _NCH)],
                w_v.at[pl.ds(p * _NCH, _NCH)],
            )

        for p in range(nplanes):
            out_ref = out_refs[p]

            def _fire(j, carry, p=p, out_ref=out_ref):
                jj = p * _NCH + j
                pltpu.make_async_copy(
                    w_v.at[jj], out_ref.at[idx_v.at[jj]], sem
                ).start()
                return carry

            lax.fori_loop(0, _NCH, _fire, 0)

        def _drain(j, carry):
            pltpu.make_async_copy(
                w_v.at[0], out_refs[0].at[idx_v.at[0]], sem
            ).wait()
            return carry

        lax.fori_loop(0, nplanes * _NCH, _drain, 0)

    return _sc_scatter


_sc_scatter1 = _make_sc_scatter(1)


_RBLK = 512
_OUT_SHAPE = jax.ShapeDtypeStruct((_STAGES, _N, _N), jnp.float32)


def _retile_first_body(i_ref, o_ref):
    o_ref[...] = i_ref[...].reshape(o_ref.shape)


def _retile_next_body(i_ref, big_ref, o_ref):
    del big_ref
    o_ref[...] = i_ref[...].reshape(o_ref.shape)


def _make_retile(s):
    in_spec = pl.BlockSpec((_RBLK * _N,), lambda j: (j,))
    out_spec = pl.BlockSpec((1, _RBLK, _N), lambda j: (s, j, 0))
    if s == 0:
        return pl.pallas_call(
            _retile_first_body,
            grid=(_N // _RBLK,),
            in_specs=[in_spec],
            out_specs=out_spec,
            out_shape=_OUT_SHAPE,
        )
    return pl.pallas_call(
        _retile_next_body,
        grid=(_N // _RBLK,),
        in_specs=[in_spec, pl.BlockSpec(memory_space=pl.ANY)],
        out_specs=out_spec,
        out_shape=_OUT_SHAPE,
        input_output_aliases={1: 0},
    )


_retiles = [_make_retile(s) for s in range(_STAGES)]


def kernel(alphas, idx_rows, idx_cols):
    a2 = alphas.reshape(_STAGES * _PR, _CH)
    r2 = idx_rows.reshape(_STAGES * _PR, _CH)
    c2 = idx_cols.reshape(_STAGES * _PR, _CH)
    outs = _prep(a2, r2, c2)
    ws, idxs = outs[:_STAGES], outs[_STAGES:]
    planes = []
    for s in range(_STAGES):
        ref = jax.new_ref(_zeros())
        _sc_scatter1(idxs[s], ws[s], ref)
        planes.append(ref[...])
    big = _retiles[0](planes[0])
    for s in range(1, _STAGES):
        big = _retiles[s](planes[s], big)
    return big

# --- scband reference (transcript-rebuilt; emitter-appended) ---
"""Pipeline reference for scband-layer2-controller-73392401154494 (READ-ONLY COPY).

The authoritative reference and input builder live on the scoring server;
editing this copy changes nothing except your own understanding.
"""

import jax, jax.numpy as jnp
import numpy as np

STAGE_NUM = 3
N_NODES = 4096
EDGES_PER_STAGE = 131072
GUMBEL_TEMP = 1.0


def setup_inputs(seed: int = 0) -> dict:
    key = jax.random.key(seed)
    k1, k2, k3 = jax.random.split(key, 3)
    # cg_alphas parameter: 0.001 * randn(sum(num_possible_edges)) as in __init__
    alphas = 0.001 * jax.random.normal(k1, (STAGE_NUM * EDGES_PER_STAGE,), dtype=jnp.float32)
    # search_space.idxes[i_stage]: (row, col) positions inside each stage adjacency matrix
    idx_rows = jax.random.randint(k2, (STAGE_NUM, EDGES_PER_STAGE), 0, N_NODES, dtype=jnp.int32)
    idx_cols = jax.random.randint(k3, (STAGE_NUM, EDGES_PER_STAGE), 0, N_NODES, dtype=jnp.int32)
    return {"alphas": alphas, "idx_rows": idx_rows, "idx_cols": idx_cols}


def reference(alphas, idx_rows, idx_cols):
    # sample() with use_prob=True, gumbel_hard=False, force_uniform=False, batch_size=1:
    #   sampled = softmax(alphas / gumbel_temperature); op_weights = sampled
    weights = jax.nn.softmax(alphas / GUMBEL_TEMP, axis=-1)
    stage_conns = []
    for i_stage in range(STAGE_NUM):
        begin = i_stage * EDGES_PER_STAGE
        op_weights = weights[begin:begin + EDGES_PER_STAGE]
        # GetArchMacro.forward: stage_conn = zeros(N, N); stage_conn[idxes] = op_weights
        stage_conn = jnp.zeros((N_NODES, N_NODES), dtype=weights.dtype)
        stage_conn = stage_conn.at[idx_rows[i_stage], idx_cols[i_stage]].set(op_weights)
        stage_conns.append(stage_conn)
    return jnp.stack(stage_conns, axis=0)

if __name__ == "__main__":
    import jax
    _d = setup_inputs()
    print(jax.jit(kernel)(*tuple(_d.values())))

</pallas_src>

<mosaic_0001>
#map = affine_map<(d0, d1) -> (0, 0)>
#map1 = affine_map<(d0, d1) -> (0)>
module attributes {stable_mosaic.version = 14 : i64} {
  func.func @new_body(%arg0: i32, %arg1: i32, %arg2: memref<1024x128xi32, #tpu.memory_space<hbm>>, %arg3: memref<1024x128xf32, #tpu.memory_space<hbm>>, %arg4: memref<16777216xf32, #tpu.memory_space<hbm>>, %arg5: memref<16777216xf32, #tpu.memory_space<hbm>>, %arg6: memref<32x128xi32, #tpu.memory_space<vmem>>, %arg7: memref<32x128xf32, #tpu.memory_space<vmem>>, %arg8: memref<!tpu.dma_semaphore, #tpu.memory_space<semaphore_mem>>) attributes {dimension_semantics = [#tpu.dimension_semantics<core_parallel>, #tpu.dimension_semantics<subcore_parallel>], iteration_bounds = array<i64: 2, 16>, scalar_prefetch = 0 : i64, scratch_operands = 3 : i64, tpu.core_type = #tpu.core_type<sc_vector_subcore>, window_params = [{transform_indices = #map}, {transform_indices = #map}, {transform_indices = #map1}, {transform_indices = #map1}]} {
    %mul3A = arith.constant 2 : i32
    %mul3A_0 = arith.muli %arg1, %mul3A : i32
    %add3A = arith.addi %mul3A_0, %arg0 : i32
    %mul3A_1 = arith.constant 32 : i32
    %mul3A_2 = arith.muli %add3A, %mul3A_1 : i32
    "tpu.region"() ({
      %run_scoped3A = tpu.sem_alloc : memref<!tpu.dma_semaphore, #tpu.memory_space<semaphore_mem>>
      %dma_start3A = arith.constant 0 : i32
      %dma_start3A_14 = arith.constant 0 : i32
      %dma_start3A_15 = tpu.memref_slice %arg6[%dma_start3A, %dma_start3A_14] : memref<32x128xi32, #tpu.memory_space<vmem>> -> memref<32x128xi32, #tpu.memory_space<vmem>>
      %dma_start3A_16 = arith.constant 0 : i32
      %dma_start3A_17 = tpu.memref_slice %arg2[%mul3A_2, %dma_start3A_16] : memref<1024x128xi32, #tpu.memory_space<hbm>> -> memref<32x128xi32, #tpu.memory_space<hbm>>
      %dma_start3A_18 = arith.constant 0 : i32
      %dma_start3A_19 = arith.constant 0 : i32
      %dma_start3A_20 = tpu.memref_slice %arg6[%dma_start3A_18, %dma_start3A_19] : memref<32x128xi32, #tpu.memory_space<vmem>> -> memref<32x128xi32, #tpu.memory_space<vmem>>
      %dma_start3A_21 = arith.constant 0 : i32
      %dma_start3A_22 = tpu.memref_slice %arg2[%mul3A_2, %dma_start3A_21] : memref<1024x128xi32, #tpu.memory_space<hbm>> -> memref<32x128xi32, #tpu.memory_space<hbm>>
      tpu.enqueue_dma source(%dma_start3A_22 : memref<32x128xi32, #tpu.memory_space<hbm>>) target(%dma_start3A_20 : memref<32x128xi32, #tpu.memory_space<vmem>>) target_semaphore(%run_scoped3A : memref<!tpu.dma_semaphore, #tpu.memory_space<semaphore_mem>>)
      %dma_wait3A = arith.constant 0 : i32
      %dma_wait3A_23 = arith.constant 0 : i32
      %dma_wait3A_24 = tpu.memref_slice %arg6[%dma_wait3A, %dma_wait3A_23] : memref<32x128xi32, #tpu.memory_space<vmem>> -> memref<32x128xi32, #tpu.memory_space<vmem>>
      %dma_wait3A_25 = arith.constant 0 : i32
      %dma_wait3A_26 = tpu.memref_slice %arg2[%mul3A_2, %dma_wait3A_25] : memref<1024x128xi32, #tpu.memory_space<hbm>> -> memref<32x128xi32, #tpu.memory_space<hbm>>
      %dma_wait3A_27 = arith.constant 0 : i32
      %dma_wait3A_28 = arith.constant 0 : i32
      %dma_wait3A_29 = tpu.memref_slice %arg6[%dma_wait3A_27, %dma_wait3A_28] : memref<32x128xi32, #tpu.memory_space<vmem>> -> memref<32x128xi32, #tpu.memory_space<vmem>>
      %dma_wait3A_30 = arith.constant 0 : i32
      %dma_wait3A_31 = tpu.memref_slice %arg2[%mul3A_2, %dma_wait3A_30] : memref<1024x128xi32, #tpu.memory_space<hbm>> -> memref<32x128xi32, #tpu.memory_space<hbm>>
      tpu.wait_dma2 semaphore(%run_scoped3A : memref<!tpu.dma_semaphore, #tpu.memory_space<semaphore_mem>>) src(%dma_wait3A_31 : memref<32x128xi32, #tpu.memory_space<hbm>>) dst(%dma_wait3A_29 : memref<32x128xi32, #tpu.memory_space<vmem>>)
      tpu.yield
    }) : () -> ()
    "tpu.region"() ({
      %run_scoped3A = tpu.sem_alloc : memref<!tpu.dma_semaphore, #tpu.memory_space<semaphore_mem>>
      %dma_start3A = arith.constant 0 : i32
      %dma_start3A_14 = arith.constant 0 : i32
      %dma_start3A_15 = tpu.memref_slice %arg7[%dma_start3A, %dma_start3A_14] : memref<32x128xf32, #tpu.memory_space<vmem>> -> memref<32x128xf32, #tpu.memory_space<vmem>>
      %dma_start3A_16 = arith.constant 0 : i32
      %dma_start3A_17 = tpu.memref_slice %arg3[%mul3A_2, %dma_start3A_16] : memref<1024x128xf32, #tpu.memory_space<hbm>> -> memref<32x128xf32, #tpu.memory_space<hbm>>
      %dma_start3A_18 = arith.constant 0 : i32
      %dma_start3A_19 = arith.constant 0 : i32
      %dma_start3A_20 = tpu.memref_slice %arg7[%dma_start3A_18, %dma_start3A_19] : memref<32x128xf32, #tpu.memory_space<vmem>> -> memref<32x128xf32, #tpu.memory_space<vmem>>
      %dma_start3A_21 = arith.constant 0 : i32
      %dma_start3A_22 = tpu.memref_slice %arg3[%mul3A_2, %dma_start3A_21] : memref<1024x128xf32, #tpu.memory_space<hbm>> -> memref<32x128xf32, #tpu.memory_space<hbm>>
      tpu.enqueue_dma source(%dma_start3A_22 : memref<32x128xf32, #tpu.memory_space<hbm>>) target(%dma_start3A_20 : memref<32x128xf32, #tpu.memory_space<vmem>>) target_semaphore(%run_scoped3A : memref<!tpu.dma_semaphore, #tpu.memory_space<semaphore_mem>>)
      %dma_wait3A = arith.constant 0 : i32
      %dma_wait3A_23 = arith.constant 0 : i32
      %dma_wait3A_24 = tpu.memref_slice %arg7[%dma_wait3A, %dma_wait3A_23] : memref<32x128xf32, #tpu.memory_space<vmem>> -> memref<32x128xf32, #tpu.memory_space<vmem>>
      %dma_wait3A_25 = arith.constant 0 : i32
      %dma_wait3A_26 = tpu.memref_slice %arg3[%mul3A_2, %dma_wait3A_25] : memref<1024x128xf32, #tpu.memory_space<hbm>> -> memref<32x128xf32, #tpu.memory_space<hbm>>
      %dma_wait3A_27 = arith.constant 0 : i32
      %dma_wait3A_28 = arith.constant 0 : i32
      %dma_wait3A_29 = tpu.memref_slice %arg7[%dma_wait3A_27, %dma_wait3A_28] : memref<32x128xf32, #tpu.memory_space<vmem>> -> memref<32x128xf32, #tpu.memory_space<vmem>>
      %dma_wait3A_30 = arith.constant 0 : i32
      %dma_wait3A_31 = tpu.memref_slice %arg3[%mul3A_2, %dma_wait3A_30] : memref<1024x128xf32, #tpu.memory_space<hbm>> -> memref<32x128xf32, #tpu.memory_space<hbm>>
      tpu.wait_dma2 semaphore(%run_scoped3A : memref<!tpu.dma_semaphore, #tpu.memory_space<semaphore_mem>>) src(%dma_wait3A_31 : memref<32x128xf32, #tpu.memory_space<hbm>>) dst(%dma_wait3A_29 : memref<32x128xf32, #tpu.memory_space<vmem>>)
      tpu.yield
    }) : () -> ()
    %scan3A = arith.constant 0 : i32
    %scan3A_3 = arith.constant 0 : i32
    %scan3A_4 = arith.constant 32 : i32
    %scan3A_5 = arith.addi %scan3A_3, %scan3A_4 : i32
    %scan3A_6 = arith.constant 1 : i32
    scf.for %scan3A_14 = %scan3A_3 to %scan3A_5 step %scan3A_6  : i32 {
      %add3A_15 = arith.constant 0 : i32
      %add3A_16 = arith.addi %add3A_15, %scan3A_14 : i32
      %dma_start3A = arith.constant 0 : i32
      %dma_start3A_17 = tpu.memref_slice %arg7[%add3A_16, %dma_start3A] : memref<32x128xf32, #tpu.memory_space<vmem>> -> memref<1x128xf32, #tpu.memory_space<vmem>>
      %dma_start3A_18 = tpu.memref_squeeze %dma_start3A_17 : memref<1x128xf32, #tpu.memory_space<vmem>> -> memref<128xf32, #tpu.memory_space<vmem>>
      %dma_start3A_19 = arith.constant 0 : i32
      %dma_start3A_20 = tpu.memref_slice %arg6[%add3A_16, %dma_start3A_19] : memref<32x128xi32, #tpu.memory_space<vmem>> -> memref<1x128xi32, #tpu.memory_space<vmem>>
      %dma_start3A_21 = tpu.memref_squeeze %dma_start3A_20 : memref<1x128xi32, #tpu.memory_space<vmem>> -> memref<128xi32, #tpu.memory_space<vmem>>
      %dma_start3A_22 = arith.constant 0 : i32
      %dma_start3A_23 = tpu.memref_slice %arg4[%dma_start3A_22] : memref<16777216xf32, #tpu.memory_space<hbm>> -> memref<16777216xf32, #tpu.memory_space<hbm>>
      tpu.enqueue_indirect_dma source(%dma_start3A_18 : memref<128xf32, #tpu.memory_space<vmem>>) target(%dma_start3A_23 : memref<16777216xf32, #tpu.memory_space<hbm>>) offsets(%dma_start3A_21 : memref<128xi32, #tpu.memory_space<vmem>>) semaphore(%arg8 : memref<!tpu.dma_semaphore, #tpu.memory_space<semaphore_mem>>)
    }
    %scan3A_7 = arith.constant 32 : i32
    %scan3A_8 = arith.constant 0 : i32
    %scan3A_9 = arith.constant 0 : i32
    %scan3A_10 = arith.constant 32 : i32
    %scan3A_11 = arith.addi %scan3A_9, %scan3A_10 : i32
    %scan3A_12 = arith.constant 1 : i32
    scf.for %scan3A_14 = %scan3A_9 to %scan3A_11 step %scan3A_12  : i32 {
      %dma_wait3A = arith.constant 0 : i32
      %dma_wait3A_15 = arith.constant 0 : i32
      %dma_wait3A_16 = arith.constant 0 : i32
      %dma_wait3A_17 = tpu.memref_slice %arg7[%dma_wait3A, %dma_wait3A_16] : memref<32x128xf32, #tpu.memory_space<vmem>> -> memref<1x128xf32, #tpu.memory_space<vmem>>
      %dma_wait3A_18 = tpu.memref_squeeze %dma_wait3A_17 : memref<1x128xf32, #tpu.memory_space<vmem>> -> memref<128xf32, #tpu.memory_space<vmem>>
      %dma_wait3A_19 = arith.constant 0 : i32
      %dma_wait3A_20 = tpu.memref_slice %arg6[%dma_wait3A_15, %dma_wait3A_19] : memref<32x128xi32, #tpu.memory_space<vmem>> -> memref<1x128xi32, #tpu.memory_space<vmem>>
      %dma_wait3A_21 = tpu.memref_squeeze %dma_wait3A_20 : memref<1x128xi32, #tpu.memory_space<vmem>> -> memref<128xi32, #tpu.memory_space<vmem>>
      %dma_wait3A_22 = arith.constant 0 : i32
      %dma_wait3A_23 = tpu.memref_slice %arg4[%dma_wait3A_22] : memref<16777216xf32, #tpu.memory_space<hbm>> -> memref<16777216xf32, #tpu.memory_space<hbm>>
      tpu.wait_indirect_dma semaphore(%arg8 : memref<!tpu.dma_semaphore, #tpu.memory_space<semaphore_mem>>) src(%dma_wait3A_18 : memref<128xf32, #tpu.memory_space<vmem>>) dst(%dma_wait3A_23 : memref<16777216xf32, #tpu.memory_space<hbm>>)
    }
    %scan3A_13 = arith.constant 32 : i32
    return
  }
}

#map = affine_map<(d0, d1) -> (0, 0)>
#map1 = affine_map<(d0, d1) -> (0)>
module attributes {stable_mosaic.version = 14 : i64} {
  func.func @new_body(%arg0: i32, %arg1: i32, %arg2: memref<1024x128xi32, #tpu.memory_space<hbm>>, %arg3: memref<1024x128xf32, #tpu.memory_space<hbm>>, %arg4: memref<16777216xf32, #tpu.memory_space<hbm>>, %arg5: memref<16777216xf32, #tpu.memory_space<hbm>>, %arg6: memref<32x128xi32, #tpu.memory_space<vmem>>, %arg7: memref<32x128xf32, #tpu.memory_space<vmem>>, %arg8: memref<!tpu.dma_semaphore, #tpu.memory_space<semaphore_mem>>) attributes {dimension_semantics = [#tpu.dimension_semantics<core_parallel>, #tpu.dimension_semantics<subcore_parallel>], iteration_bounds = array<i64: 2, 16>, scalar_prefetch = 0 : i64, scratch_operands = 3 : i64, tpu.core_type = #tpu.core_type<sc_vector_subcore>, window_params = [{transform_indices = #map}, {transform_indices = #map}, {transform_indices = #map1}, {transform_indices = #map1}]} {
    %mul3A = arith.constant 2 : i32
    %mul3A_0 = arith.muli %arg1, %mul3A : i32
    %add3A = arith.addi %mul3A_0, %arg0 : i32
    %mul3A_1 = arith.constant 32 : i32
    %mul3A_2 = arith.muli %add3A, %mul3A_1 : i32
    "tpu.region"() ({
      %run_scoped3A = tpu.sem_alloc : memref<!tpu.dma_semaphore, #tpu.memory_space<semaphore_mem>>
      %dma_start3A = arith.constant 0 : i32
      %dma_start3A_14 = arith.constant 0 : i32
      %dma_start3A_15 = tpu.memref_slice %arg6[%dma_start3A, %dma_start3A_14] : memref<32x128xi32, #tpu.memory_space<vmem>> -> memref<32x128xi32, #tpu.memory_space<vmem>>
      %dma_start3A_16 = arith.constant 0 : i32
      %dma_start3A_17 = tpu.memref_slice %arg2[%mul3A_2, %dma_start3A_16] : memref<1024x128xi32, #tpu.memory_space<hbm>> -> memref<32x128xi32, #tpu.memory_space<hbm>>
      %dma_start3A_18 = arith.constant 0 : i32
      %dma_start3A_19 = arith.constant 0 : i32
      %dma_start3A_20 = tpu.memref_slice %arg6[%dma_start3A_18, %dma_start3A_19] : memref<32x128xi32, #tpu.memory_space<vmem>> -> memref<32x128xi32, #tpu.memory_space<vmem>>
      %dma_start3A_21 = arith.constant 0 : i32
      %dma_start3A_22 = tpu.memref_slice %arg2[%mul3A_2, %dma_start3A_21] : memref<1024x128xi32, #tpu.memory_space<hbm>> -> memref<32x128xi32, #tpu.memory_space<hbm>>
      tpu.enqueue_dma source(%dma_start3A_22 : memref<32x128xi32, #tpu.memory_space<hbm>>) target(%dma_start3A_20 : memref<32x128xi32, #tpu.memory_space<vmem>>) target_semaphore(%run_scoped3A : memref<!tpu.dma_semaphore, #tpu.memory_space<semaphore_mem>>)
      %dma_wait3A = arith.constant 0 : i32
      %dma_wait3A_23 = arith.constant 0 : i32
      %dma_wait3A_24 = tpu.memref_slice %arg6[%dma_wait3A, %dma_wait3A_23] : memref<32x128xi32, #tpu.memory_space<vmem>> -> memref<32x128xi32, #tpu.memory_space<vmem>>
      %dma_wait3A_25 = arith.constant 0 : i32
      %dma_wait3A_26 = tpu.memref_slice %arg2[%mul3A_2, %dma_wait3A_25] : memref<1024x128xi32, #tpu.memory_space<hbm>> -> memref<32x128xi32, #tpu.memory_space<hbm>>
      %dma_wait3A_27 = arith.constant 0 : i32
      %dma_wait3A_28 = arith.constant 0 : i32
      %dma_wait3A_29 = tpu.memref_slice %arg6[%dma_wait3A_27, %dma_wait3A_28] : memref<32x128xi32, #tpu.memory_space<vmem>> -> memref<32x128xi32, #tpu.memory_space<vmem>>
      %dma_wait3A_30 = arith.constant 0 : i32
      %dma_wait3A_31 = tpu.memref_slice %arg2[%mul3A_2, %dma_wait3A_30] : memref<1024x128xi32, #tpu.memory_space<hbm>> -> memref<32x128xi32, #tpu.memory_space<hbm>>
      tpu.wait_dma2 semaphore(%run_scoped3A : memref<!tpu.dma_semaphore, #tpu.memory_space<semaphore_mem>>) src(%dma_wait3A_31 : memref<32x128xi32, #tpu.memory_space<hbm>>) dst(%dma_wait3A_29 : memref<32x128xi32, #tpu.memory_space<vmem>>)
      tpu.yield
    }) : () -> ()
    "tpu.region"() ({
      %run_scoped3A = tpu.sem_alloc : memref<!tpu.dma_semaphore, #tpu.memory_space<semaphore_mem>>
      %dma_start3A = arith.constant 0 : i32
      %dma_start3A_14 = arith.constant 0 : i32
      %dma_start3A_15 = tpu.memref_slice %arg7[%dma_start3A, %dma_start3A_14] : memref<32x128xf32, #tpu.memory_space<vmem>> -> memref<32x128xf32, #tpu.memory_space<vmem>>
      %dma_start3A_16 = arith.constant 0 : i32
      %dma_start3A_17 = tpu.memref_slice %arg3[%mul3A_2, %dma_start3A_16] : memref<1024x128xf32, #tpu.memory_space<hbm>> -> memref<32x128xf32, #tpu.memory_space<hbm>>
      %dma_start3A_18 = arith.constant 0 : i32
      %dma_start3A_19 = arith.constant 0 : i32
      %dma_start3A_20 = tpu.memref_slice %arg7[%dma_start3A_18, %dma_start3A_19] : memref<32x128xf32, #tpu.memory_space<vmem>> -> memref<32x128xf32, #tpu.memory_space<vmem>>
      %dma_start3A_21 = arith.constant 0 : i32
      %dma_start3A_22 = tpu.memref_slice %arg3[%mul3A_2, %dma_start3A_21] : memref<1024x128xf32, #tpu.memory_space<hbm>> -> memref<32x128xf32, #tpu.memory_space<hbm>>
      tpu.enqueue_dma source(%dma_start3A_22 : memref<32x128xf32, #tpu.memory_space<hbm>>) target(%dma_start3A_20 : memref<32x128xf32, #tpu.memory_space<vmem>>) target_semaphore(%run_scoped3A : memref<!tpu.dma_semaphore, #tpu.memory_space<semaphore_mem>>)
      %dma_wait3A = arith.constant 0 : i32
      %dma_wait3A_23 = arith.constant 0 : i32
      %dma_wait3A_24 = tpu.memref_slice %arg7[%dma_wait3A, %dma_wait3A_23] : memref<32x128xf32, #tpu.memory_space<vmem>> -> memref<32x128xf32, #tpu.memory_space<vmem>>
      %dma_wait3A_25 = arith.constant 0 : i32
      %dma_wait3A_26 = tpu.memref_slice %arg3[%mul3A_2, %dma_wait3A_25] : memref<1024x128xf32, #tpu.memory_space<hbm>> -> memref<32x128xf32, #tpu.memory_space<hbm>>
      %dma_wait3A_27 = arith.constant 0 : i32
      %dma_wait3A_28 = arith.constant 0 : i32
      %dma_wait3A_29 = tpu.memref_slice %arg7[%dma_wait3A_27, %dma_wait3A_28] : memref<32x128xf32, #tpu.memory_space<vmem>> -> memref<32x128xf32, #tpu.memory_space<vmem>>
      %dma_wait3A_30 = arith.constant 0 : i32
      %dma_wait3A_31 = tpu.memref_slice %arg3[%mul3A_2, %dma_wait3A_30] : memref<1024x128xf32, #tpu.memory_space<hbm>> -> memref<32x128xf32, #tpu.memory_space<hbm>>
      tpu.wait_dma2 semaphore(%run_scoped3A : memref<!tpu.dma_semaphore, #tpu.memory_space<semaphore_mem>>) src(%dma_wait3A_31 : memref<32x128xf32, #tpu.memory_space<hbm>>) dst(%dma_wait3A_29 : memref<32x128xf32, #tpu.memory_space<vmem>>)
      tpu.yield
    }) : () -> ()
    %scan3A = arith.constant 0 : i32
    %scan3A_3 = arith.constant 0 : i32
    %scan3A_4 = arith.constant 32 : i32
    %scan3A_5 = arith.addi %scan3A_3, %scan3A_4 : i32
    %scan3A_6 = arith.constant 1 : i32
    scf.for %scan3A_14 = %scan3A_3 to %scan3A_5 step %scan3A_6  : i32 {
      %add3A_15 = arith.constant 0 : i32
      %add3A_16 = arith.addi %add3A_15, %scan3A_14 : i32
      %dma_start3A = arith.constant 0 : i32
      %dma_start3A_17 = tpu.memref_slice %arg7[%add3A_16, %dma_start3A] : memref<32x128xf32, #tpu.memory_space<vmem>> -> memref<1x128xf32, #tpu.memory_space<vmem>>
      %dma_start3A_18 = tpu.memref_squeeze %dma_start3A_17 : memref<1x128xf32, #tpu.memory_space<vmem>> -> memref<128xf32, #tpu.memory_space<vmem>>
      %dma_start3A_19 = arith.constant 0 : i32
      %dma_start3A_20 = tpu.memref_slice %arg6[%add3A_16, %dma_start3A_19] : memref<32x128xi32, #tpu.memory_space<vmem>> -> memref<1x128xi32, #tpu.memory_space<vmem>>
      %dma_start3A_21 = tpu.memref_squeeze %dma_start3A_20 : memref<1x128xi32, #tpu.memory_space<vmem>> -> memref<128xi32, #tpu.memory_space<vmem>>
      %dma_start3A_22 = arith.constant 0 : i32
      %dma_start3A_23 = tpu.memref_slice %arg4[%dma_start3A_22] : memref<16777216xf32, #tpu.memory_space<hbm>> -> memref<16777216xf32, #tpu.memory_space<hbm>>
      tpu.enqueue_indirect_dma source(%dma_start3A_18 : memref<128xf32, #tpu.memory_space<vmem>>) target(%dma_start3A_23 : memref<16777216xf32, #tpu.memory_space<hbm>>) offsets(%dma_start3A_21 : memref<128xi32, #tpu.memory_space<vmem>>) semaphore(%arg8 : memref<!tpu.dma_semaphore, #tpu.memory_space<semaphore_mem>>)
    }
    %scan3A_7 = arith.constant 32 : i32
    %scan3A_8 = arith.constant 0 : i32
    %scan3A_9 = arith.constant 0 : i32
    %scan3A_10 = arith.constant 32 : i32
    %scan3A_11 = arith.addi %scan3A_9, %scan3A_10 : i32
    %scan3A_12 = arith.constant 1 : i32
    scf.for %scan3A_14 = %scan3A_9 to %scan3A_11 step %scan3A_12  : i32 {
      %dma_wait3A = arith.constant 0 : i32
      %dma_wait3A_15 = arith.constant 0 : i32
      %dma_wait3A_16 = arith.constant 0 : i32
      %dma_wait3A_17 = tpu.memref_slice %arg7[%dma_wait3A, %dma_wait3A_16] : memref<32x128xf32, #tpu.memory_space<vmem>> -> memref<1x128xf32, #tpu.memory_space<vmem>>
      %dma_wait3A_18 = tpu.memref_squeeze %dma_wait3A_17 : memref<1x128xf32, #tpu.memory_space<vmem>> -> memref<128xf32, #tpu.memory_space<vmem>>
      %dma_wait3A_19 = arith.constant 0 : i32
      %dma_wait3A_20 = tpu.memref_slice %arg6[%dma_wait3A_15, %dma_wait3A_19] : memref<32x128xi32, #tpu.memory_space<vmem>> -> memref<1x128xi32, #tpu.memory_space<vmem>>
      %dma_wait3A_21 = tpu.memref_squeeze %dma_wait3A_20 : memref<1x128xi32, #tpu.memory_space<vmem>> -> memref<128xi32, #tpu.memory_space<vmem>>
      %dma_wait3A_22 = arith.constant 0 : i32
      %dma_wait3A_23 = tpu.memref_slice %arg4[%dma_wait3A_22] : memref<16777216xf32, #tpu.memory_space<hbm>> -> memref<16777216xf32, #tpu.memory_space<hbm>>
      tpu.wait_indirect_dma semaphore(%arg8 : memref<!tpu.dma_semaphore, #tpu.memory_space<semaphore_mem>>) src(%dma_wait3A_18 : memref<128xf32, #tpu.memory_space<vmem>>) dst(%dma_wait3A_23 : memref<16777216xf32, #tpu.memory_space<hbm>>)
    }
    %scan3A_13 = arith.constant 32 : i32
    return
  }
}

#map = affine_map<(d0, d1) -> (0, 0)>
#map1 = affine_map<(d0, d1) -> (0)>
module attributes {stable_mosaic.version = 14 : i64} {
  func.func @new_body(%arg0: i32, %arg1: i32, %arg2: memref<1024x128xi32, #tpu.memory_space<hbm>>, %arg3: memref<1024x128xf32, #tpu.memory_space<hbm>>, %arg4: memref<16777216xf32, #tpu.memory_space<hbm>>, %arg5: memref<16777216xf32, #tpu.memory_space<hbm>>, %arg6: memref<32x128xi32, #tpu.memory_space<vmem>>, %arg7: memref<32x128xf32, #tpu.memory_space<vmem>>, %arg8: memref<!tpu.dma_semaphore, #tpu.memory_space<semaphore_mem>>) attributes {dimension_semantics = [#tpu.dimension_semantics<core_parallel>, #tpu.dimension_semantics<subcore_parallel>], iteration_bounds = array<i64: 2, 16>, scalar_prefetch = 0 : i64, scratch_operands = 3 : i64, tpu.core_type = #tpu.core_type<sc_vector_subcore>, window_params = [{transform_indices = #map}, {transform_indices = #map}, {transform_indices = #map1}, {transform_indices = #map1}]} {
    %mul3A = arith.constant 2 : i32
    %mul3A_0 = arith.muli %arg1, %mul3A : i32
    %add3A = arith.addi %mul3A_0, %arg0 : i32
    %mul3A_1 = arith.constant 32 : i32
    %mul3A_2 = arith.muli %add3A, %mul3A_1 : i32
    "tpu.region"() ({
      %run_scoped3A = tpu.sem_alloc : memref<!tpu.dma_semaphore, #tpu.memory_space<semaphore_mem>>
      %dma_start3A = arith.constant 0 : i32
      %dma_start3A_14 = arith.constant 0 : i32
      %dma_start3A_15 = tpu.memref_slice %arg6[%dma_start3A, %dma_start3A_14] : memref<32x128xi32, #tpu.memory_space<vmem>> -> memref<32x128xi32, #tpu.memory_space<vmem>>
      %dma_start3A_16 = arith.constant 0 : i32
      %dma_start3A_17 = tpu.memref_slice %arg2[%mul3A_2, %dma_start3A_16] : memref<1024x128xi32, #tpu.memory_space<hbm>> -> memref<32x128xi32, #tpu.memory_space<hbm>>
      %dma_start3A_18 = arith.constant 0 : i32
      %dma_start3A_19 = arith.constant 0 : i32
      %dma_start3A_20 = tpu.memref_slice %arg6[%dma_start3A_18, %dma_start3A_19] : memref<32x128xi32, #tpu.memory_space<vmem>> -> memref<32x128xi32, #tpu.memory_space<vmem>>
      %dma_start3A_21 = arith.constant 0 : i32
      %dma_start3A_22 = tpu.memref_slice %arg2[%mul3A_2, %dma_start3A_21] : memref<1024x128xi32, #tpu.memory_space<hbm>> -> memref<32x128xi32, #tpu.memory_space<hbm>>
      tpu.enqueue_dma source(%dma_start3A_22 : memref<32x128xi32, #tpu.memory_space<hbm>>) target(%dma_start3A_20 : memref<32x128xi32, #tpu.memory_space<vmem>>) target_semaphore(%run_scoped3A : memref<!tpu.dma_semaphore, #tpu.memory_space<semaphore_mem>>)
      %dma_wait3A = arith.constant 0 : i32
      %dma_wait3A_23 = arith.constant 0 : i32
      %dma_wait3A_24 = tpu.memref_slice %arg6[%dma_wait3A, %dma_wait3A_23] : memref<32x128xi32, #tpu.memory_space<vmem>> -> memref<32x128xi32, #tpu.memory_space<vmem>>
      %dma_wait3A_25 = arith.constant 0 : i32
      %dma_wait3A_26 = tpu.memref_slice %arg2[%mul3A_2, %dma_wait3A_25] : memref<1024x128xi32, #tpu.memory_space<hbm>> -> memref<32x128xi32, #tpu.memory_space<hbm>>
      %dma_wait3A_27 = arith.constant 0 : i32
      %dma_wait3A_28 = arith.constant 0 : i32
      %dma_wait3A_29 = tpu.memref_slice %arg6[%dma_wait3A_27, %dma_wait3A_28] : memref<32x128xi32, #tpu.memory_space<vmem>> -> memref<32x128xi32, #tpu.memory_space<vmem>>
      %dma_wait3A_30 = arith.constant 0 : i32
      %dma_wait3A_31 = tpu.memref_slice %arg2[%mul3A_2, %dma_wait3A_30] : memref<1024x128xi32, #tpu.memory_space<hbm>> -> memref<32x128xi32, #tpu.memory_space<hbm>>
      tpu.wait_dma2 semaphore(%run_scoped3A : memref<!tpu.dma_semaphore, #tpu.memory_space<semaphore_mem>>) src(%dma_wait3A_31 : memref<32x128xi32, #tpu.memory_space<hbm>>) dst(%dma_wait3A_29 : memref<32x128xi32, #tpu.memory_space<vmem>>)
      tpu.yield
    }) : () -> ()
    "tpu.region"() ({
      %run_scoped3A = tpu.sem_alloc : memref<!tpu.dma_semaphore, #tpu.memory_space<semaphore_mem>>
      %dma_start3A = arith.constant 0 : i32
      %dma_start3A_14 = arith.constant 0 : i32
      %dma_start3A_15 = tpu.memref_slice %arg7[%dma_start3A, %dma_start3A_14] : memref<32x128xf32, #tpu.memory_space<vmem>> -> memref<32x128xf32, #tpu.memory_space<vmem>>
      %dma_start3A_16 = arith.constant 0 : i32
      %dma_start3A_17 = tpu.memref_slice %arg3[%mul3A_2, %dma_start3A_16] : memref<1024x128xf32, #tpu.memory_space<hbm>> -> memref<32x128xf32, #tpu.memory_space<hbm>>
      %dma_start3A_18 = arith.constant 0 : i32
      %dma_start3A_19 = arith.constant 0 : i32
      %dma_start3A_20 = tpu.memref_slice %arg7[%dma_start3A_18, %dma_start3A_19] : memref<32x128xf32, #tpu.memory_space<vmem>> -> memref<32x128xf32, #tpu.memory_space<vmem>>
      %dma_start3A_21 = arith.constant 0 : i32
      %dma_start3A_22 = tpu.memref_slice %arg3[%mul3A_2, %dma_start3A_21] : memref<1024x128xf32, #tpu.memory_space<hbm>> -> memref<32x128xf32, #tpu.memory_space<hbm>>
      tpu.enqueue_dma source(%dma_start3A_22 : memref<32x128xf32, #tpu.memory_space<hbm>>) target(%dma_start3A_20 : memref<32x128xf32, #tpu.memory_space<vmem>>) target_semaphore(%run_scoped3A : memref<!tpu.dma_semaphore, #tpu.memory_space<semaphore_mem>>)
      %dma_wait3A = arith.constant 0 : i32
      %dma_wait3A_23 = arith.constant 0 : i32
      %dma_wait3A_24 = tpu.memref_slice %arg7[%dma_wait3A, %dma_wait3A_23] : memref<32x128xf32, #tpu.memory_space<vmem>> -> memref<32x128xf32, #tpu.memory_space<vmem>>
      %dma_wait3A_25 = arith.constant 0 : i32
      %dma_wait3A_26 = tpu.memref_slice %arg3[%mul3A_2, %dma_wait3A_25] : memref<1024x128xf32, #tpu.memory_space<hbm>> -> memref<32x128xf32, #tpu.memory_space<hbm>>
      %dma_wait3A_27 = arith.constant 0 : i32
      %dma_wait3A_28 = arith.constant 0 : i32
      %dma_wait3A_29 = tpu.memref_slice %arg7[%dma_wait3A_27, %dma_wait3A_28] : memref<32x128xf32, #tpu.memory_space<vmem>> -> memref<32x128xf32, #tpu.memory_space<vmem>>
      %dma_wait3A_30 = arith.constant 0 : i32
      %dma_wait3A_31 = tpu.memref_slice %arg3[%mul3A_2, %dma_wait3A_30] : memref<1024x128xf32, #tpu.memory_space<hbm>> -> memref<32x128xf32, #tpu.memory_space<hbm>>
      tpu.wait_dma2 semaphore(%run_scoped3A : memref<!tpu.dma_semaphore, #tpu.memory_space<semaphore_mem>>) src(%dma_wait3A_31 : memref<32x128xf32, #tpu.memory_space<hbm>>) dst(%dma_wait3A_29 : memref<32x128xf32, #tpu.memory_space<vmem>>)
      tpu.yield
    }) : () -> ()
    %scan3A = arith.constant 0 : i32
    %scan3A_3 = arith.constant 0 : i32
    %scan3A_4 = arith.constant 32 : i32
    %scan3A_5 = arith.addi %scan3A_3, %scan3A_4 : i32
    %scan3A_6 = arith.constant 1 : i32
    scf.for %scan3A_14 = %scan3A_3 to %scan3A_5 step %scan3A_6  : i32 {
      %add3A_15 = arith.constant 0 : i32
      %add3A_16 = arith.addi %add3A_15, %scan3A_14 : i32
      %dma_start3A = arith.constant 0 : i32
      %dma_start3A_17 = tpu.memref_slice %arg7[%add3A_16, %dma_start3A] : memref<32x128xf32, #tpu.memory_space<vmem>> -> memref<1x128xf32, #tpu.memory_space<vmem>>
      %dma_start3A_18 = tpu.memref_squeeze %dma_start3A_17 : memref<1x128xf32, #tpu.memory_space<vmem>> -> memref<128xf32, #tpu.memory_space<vmem>>
      %dma_start3A_19 = arith.constant 0 : i32
      %dma_start3A_20 = tpu.memref_slice %arg6[%add3A_16, %dma_start3A_19] : memref<32x128xi32, #tpu.memory_space<vmem>> -> memref<1x128xi32, #tpu.memory_space<vmem>>
      %dma_start3A_21 = tpu.memref_squeeze %dma_start3A_20 : memref<1x128xi32, #tpu.memory_space<vmem>> -> memref<128xi32, #tpu.memory_space<vmem>>
      %dma_start3A_22 = arith.constant 0 : i32
      %dma_start3A_23 = tpu.memref_slice %arg4[%dma_start3A_22] : memref<16777216xf32, #tpu.memory_space<hbm>> -> memref<16777216xf32, #tpu.memory_space<hbm>>
      tpu.enqueue_indirect_dma source(%dma_start3A_18 : memref<128xf32, #tpu.memory_space<vmem>>) target(%dma_start3A_23 : memref<16777216xf32, #tpu.memory_space<hbm>>) offsets(%dma_start3A_21 : memref<128xi32, #tpu.memory_space<vmem>>) semaphore(%arg8 : memref<!tpu.dma_semaphore, #tpu.memory_space<semaphore_mem>>)
    }
    %scan3A_7 = arith.constant 32 : i32
    %scan3A_8 = arith.constant 0 : i32
    %scan3A_9 = arith.constant 0 : i32
    %scan3A_10 = arith.constant 32 : i32
    %scan3A_11 = arith.addi %scan3A_9, %scan3A_10 : i32
    %scan3A_12 = arith.constant 1 : i32
    scf.for %scan3A_14 = %scan3A_9 to %scan3A_11 step %scan3A_12  : i32 {
      %dma_wait3A = arith.constant 0 : i32
      %dma_wait3A_15 = arith.constant 0 : i32
      %dma_wait3A_16 = arith.constant 0 : i32
      %dma_wait3A_17 = tpu.memref_slice %arg7[%dma_wait3A, %dma_wait3A_16] : memref<32x128xf32, #tpu.memory_space<vmem>> -> memref<1x128xf32, #tpu.memory_space<vmem>>
      %dma_wait3A_18 = tpu.memref_squeeze %dma_wait3A_17 : memref<1x128xf32, #tpu.memory_space<vmem>> -> memref<128xf32, #tpu.memory_space<vmem>>
      %dma_wait3A_19 = arith.constant 0 : i32
      %dma_wait3A_20 = tpu.memref_slice %arg6[%dma_wait3A_15, %dma_wait3A_19] : memref<32x128xi32, #tpu.memory_space<vmem>> -> memref<1x128xi32, #tpu.memory_space<vmem>>
      %dma_wait3A_21 = tpu.memref_squeeze %dma_wait3A_20 : memref<1x128xi32, #tpu.memory_space<vmem>> -> memref<128xi32, #tpu.memory_space<vmem>>
      %dma_wait3A_22 = arith.constant 0 : i32
      %dma_wait3A_23 = tpu.memref_slice %arg4[%dma_wait3A_22] : memref<16777216xf32, #tpu.memory_space<hbm>> -> memref<16777216xf32, #tpu.memory_space<hbm>>
      tpu.wait_indirect_dma semaphore(%arg8 : memref<!tpu.dma_semaphore, #tpu.memory_space<semaphore_mem>>) src(%dma_wait3A_18 : memref<128xf32, #tpu.memory_space<vmem>>) dst(%dma_wait3A_23 : memref<16777216xf32, #tpu.memory_space<hbm>>)
    }
    %scan3A_13 = arith.constant 32 : i32
    return
  }
}

module attributes {stable_mosaic.version = 14 : i64} {
  func.func @_prep_body(%arg0: memref<3072x128xf32, #tpu.memory_space<vmem>>, %arg1: memref<3072x128xi32, #tpu.memory_space<vmem>>, %arg2: memref<3072x128xi32, #tpu.memory_space<vmem>>, %arg3: memref<1024x128xf32, #tpu.memory_space<vmem>>, %arg4: memref<1024x128xf32, #tpu.memory_space<vmem>>, %arg5: memref<1024x128xf32, #tpu.memory_space<vmem>>, %arg6: memref<1024x128xi32, #tpu.memory_space<vmem>>, %arg7: memref<1024x128xi32, #tpu.memory_space<vmem>>, %arg8: memref<1024x128xi32, #tpu.memory_space<vmem>>) attributes {dimension_semantics = [], scalar_prefetch = 0 : i64, scratch_operands = 0 : i64, tpu.core_type = #tpu.core_type<tc>} {
    %get3A = arith.constant 0 : index
    %get3A_0 = arith.constant 0 : index
    %get3A_1 = vector.load %arg0[%get3A, %get3A_0] : memref<3072x128xf32, #tpu.memory_space<vmem>>, vector<3072x128xf32>
    %reduce_max3A = vector.shape_cast %get3A_1 : vector<3072x128xf32> to vector<1x3072x128xf32>
    %reduce_max3A_2 = arith.constant dense<0xFF800000> : vector<1xf32>
    %reduce_max3A_3 = vector.multi_reduction <maximumf>, %reduce_max3A, %reduce_max3A_2 [1, 2] : vector<1x3072x128xf32> to vector<1xf32>
    %reduce_max3A_4 = vector.shape_cast %reduce_max3A_3 : vector<1xf32> to vector<1x1x1xf32>
    %reduce_max3A_5 = vector.extract %reduce_max3A_4[0, 0, 0] : f32 from vector<1x1x1xf32>
    %sub3A = vector.broadcast %reduce_max3A_5 : f32 to vector<3072x128xf32>
    %sub3A_6 = arith.subf %get3A_1, %sub3A : vector<3072x128xf32>
    %exp3A = math.exp %sub3A_6 : vector<3072x128xf32>
    %reduce_sum3A = vector.shape_cast %exp3A : vector<3072x128xf32> to vector<1x3072x128xf32>
    %reduce_sum3A_7 = arith.constant dense<0.000000e+00> : vector<1xf32>
    %reduce_sum3A_8 = vector.multi_reduction <add>, %reduce_sum3A, %reduce_sum3A_7 [1, 2] : vector<1x3072x128xf32> to vector<1xf32>
    %reduce_sum3A_9 = vector.shape_cast %reduce_sum3A_8 : vector<1xf32> to vector<1x1x1xf32>
    %reduce_sum3A_10 = vector.extract %reduce_sum3A_9[0, 0, 0] : f32 from vector<1x1x1xf32>
    %div3A = arith.constant 1.000000e+00 : f32
    %div3A_11 = arith.divf %div3A, %reduce_sum3A_10 : f32
    %mul3A = vector.broadcast %div3A_11 : f32 to vector<3072x128xf32>
    %mul3A_12 = arith.mulf %exp3A, %mul3A : vector<3072x128xf32>
    %get3A_13 = arith.constant 0 : index
    %get3A_14 = arith.constant 0 : index
    %get3A_15 = vector.load %arg1[%get3A_13, %get3A_14] : memref<3072x128xi32, #tpu.memory_space<vmem>>, vector<3072x128xi32>
    %get3A_16 = arith.constant 0 : index
    %get3A_17 = arith.constant 0 : index
    %get3A_18 = vector.load %arg2[%get3A_16, %get3A_17] : memref<3072x128xi32, #tpu.memory_space<vmem>>, vector<3072x128xi32>
    %mul3A_19 = arith.constant 4096 : i32
    %mul3A_20 = vector.broadcast %mul3A_19 : i32 to vector<3072x128xi32>
    %mul3A_21 = arith.muli %get3A_15, %mul3A_20 : vector<3072x128xi32>
    %add3A = arith.addi %mul3A_21, %get3A_18 : vector<3072x128xi32>
    %slice3A = vector.extract_strided_slice %mul3A_12 {offsets = [0, 0], sizes = [1024, 128], strides = [1, 1]} : vector<3072x128xf32> to vector<1024x128xf32>
    %swap3A = arith.constant 0 : index
    %swap3A_22 = arith.constant 0 : index
    %swap3A_23 = vector.load %arg3[%swap3A, %swap3A_22] : memref<1024x128xf32, #tpu.memory_space<vmem>>, vector<1024x128xf32>
    tpu.vector_store %arg3[%swap3A, %swap3A_22], %slice3A {strides = array<i32>} : memref<1024x128xf32, #tpu.memory_space<vmem>>, vector<1024x128xf32>,
    %slice3A_24 = vector.extract_strided_slice %add3A {offsets = [0, 0], sizes = [1024, 128], strides = [1, 1]} : vector<3072x128xi32> to vector<1024x128xi32>
    %swap3A_25 = arith.constant 0 : index
    %swap3A_26 = arith.constant 0 : index
    %swap3A_27 = vector.load %arg6[%swap3A_25, %swap3A_26] : memref<1024x128xi32, #tpu.memory_space<vmem>>, vector<1024x128xi32>
    tpu.vector_store %arg6[%swap3A_25, %swap3A_26], %slice3A_24 {strides = array<i32>} : memref<1024x128xi32, #tpu.memory_space<vmem>>, vector<1024x128xi32>,
    %slice3A_28 = vector.extract_strided_slice %mul3A_12 {offsets = [1024, 0], sizes = [1024, 128], strides = [1, 1]} : vector<3072x128xf32> to vector<1024x128xf32>
    %swap3A_29 = arith.constant 0 : index
    %swap3A_30 = arith.constant 0 : index
    %swap3A_31 = vector.load %arg4[%swap3A_29, %swap3A_30] : memref<1024x128xf32, #tpu.memory_space<vmem>>, vector<1024x128xf32>
    tpu.vector_store %arg4[%swap3A_29, %swap3A_30], %slice3A_28 {strides = array<i32>} : memref<1024x128xf32, #tpu.memory_space<vmem>>, vector<1024x128xf32>,
    %slice3A_32 = vector.extract_strided_slice %add3A {offsets = [1024, 0], sizes = [1024, 128], strides = [1, 1]} : vector<3072x128xi32> to vector<1024x128xi32>
    %swap3A_33 = arith.constant 0 : index
    %swap3A_34 = arith.constant 0 : index
    %swap3A_35 = vector.load %arg7[%swap3A_33, %swap3A_34] : memref<1024x128xi32, #tpu.memory_space<vmem>>, vector<1024x128xi32>
    tpu.vector_store %arg7[%swap3A_33, %swap3A_34], %slice3A_32 {strides = array<i32>} : memref<1024x128xi32, #tpu.memory_space<vmem>>, vector<1024x128xi32>,
    %slice3A_36 = vector.extract_strided_slice %mul3A_12 {offsets = [2048, 0], sizes = [1024, 128], strides = [1, 1]} : vector<3072x128xf32> to vector<1024x128xf32>
    %swap3A_37 = arith.constant 0 : index
    %swap3A_38 = arith.constant 0 : index
    %swap3A_39 = vector.load %arg5[%swap3A_37, %swap3A_38] : memref<1024x128xf32, #tpu.memory_space<vmem>>, vector<1024x128xf32>
    tpu.vector_store %arg5[%swap3A_37, %swap3A_38], %slice3A_36 {strides = array<i32>} : memref<1024x128xf32, #tpu.memory_space<vmem>>, vector<1024x128xf32>,
    %slice3A_40 = vector.extract_strided_slice %add3A {offsets = [2048, 0], sizes = [1024, 128], strides = [1, 1]} : vector<3072x128xi32> to vector<1024x128xi32>
    %swap3A_41 = arith.constant 0 : index
    %swap3A_42 = arith.constant 0 : index
    %swap3A_43 = vector.load %arg8[%swap3A_41, %swap3A_42] : memref<1024x128xi32, #tpu.memory_space<vmem>>, vector<1024x128xi32>
    tpu.vector_store %arg8[%swap3A_41, %swap3A_42], %slice3A_40 {strides = array<i32>} : memref<1024x128xi32, #tpu.memory_space<vmem>>, vector<1024x128xi32>,
    return
  }
}

module attributes {stable_mosaic.version = 14 : i64} {
  func.func @_zero_body(%arg0: i32, %arg1: memref<2097152xf32, #tpu.memory_space<vmem>>) attributes {dimension_semantics = [#tpu.dimension_semantics<arbitrary>], iteration_bounds = array<i64: 8>, scalar_prefetch = 0 : i64, scratch_operands = 0 : i64, tpu.core_type = #tpu.core_type<tc>, window_params = [{transform_indices = @transform_0, window_bounds = array<i64: 2097152>}]} {
    %broadcast_in_dim3A = arith.constant 0.000000e+00 : f32
    %broadcast_in_dim3A_0 = vector.broadcast %broadcast_in_dim3A : f32 to vector<2097152xf32>
    %swap3A = arith.constant 0 : index
    %swap3A_1 = vector.load %arg1[%swap3A] : memref<2097152xf32, #tpu.memory_space<vmem>>, vector<2097152xf32>
    tpu.vector_store %arg1[%swap3A], %broadcast_in_dim3A_0 {strides = array<i32>} : memref<2097152xf32, #tpu.memory_space<vmem>>, vector<2097152xf32>,
    return
  }
  func.func @transform_0(%arg0: i32) -> i32 {
    %c0_i32 = arith.constant 0 : i32
    return %arg0 : i32
  }
}

module attributes {stable_mosaic.version = 14 : i64} {
  func.func @_retile_first_body(%arg0: i32, %arg1: memref<2097152xf32, #tpu.memory_space<vmem>>, %arg2: memref<1x512x4096xf32, #tpu.memory_space<vmem>>) attributes {dimension_semantics = [#tpu.dimension_semantics<arbitrary>], iteration_bounds = array<i64: 8>, scalar_prefetch = 0 : i64, scratch_operands = 0 : i64, tpu.core_type = #tpu.core_type<tc>, window_params = [{transform_indices = @transform_0, window_bounds = array<i64: 2097152>}, {transform_indices = @transform_1, window_bounds = array<i64: 1, 512, 4096>}]} {
    %get3A = arith.constant 0 : index
    %get3A_0 = vector.load %arg1[%get3A] : memref<2097152xf32, #tpu.memory_space<vmem>>, vector<2097152xf32>
    %reshape3A = vector.shape_cast %get3A_0 : vector<2097152xf32> to vector<1x512x4096xf32>
    %swap3A = arith.constant 0 : index
    %swap3A_1 = arith.constant 0 : index
    %swap3A_2 = arith.constant 0 : index
    %swap3A_3 = vector.load %arg2[%swap3A, %swap3A_1, %swap3A_2] : memref<1x512x4096xf32, #tpu.memory_space<vmem>>, vector<1x512x4096xf32>
    tpu.vector_store %arg2[%swap3A, %swap3A_1, %swap3A_2], %reshape3A {strides = array<i32>} : memref<1x512x4096xf32, #tpu.memory_space<vmem>>, vector<1x512x4096xf32>,
    return
  }
  func.func @transform_0(%arg0: i32) -> i32 {
    %c0_i32 = arith.constant 0 : i32
    return %arg0 : i32
  }
  func.func @transform_1(%arg0: i32) -> (i32, i32, i32) {
    %c0_i32 = arith.constant 0 : i32
    %c0_i32_0 = arith.constant 0 : i32
    %c0_i32_1 = arith.constant 0 : i32
    return %c0_i32, %arg0, %c0_i32_0 : i32, i32, i32
  }
}

module attributes {stable_mosaic.version = 14 : i64} {
  func.func @_retile_next_body(%arg0: i32, %arg1: memref<2097152xf32, #tpu.memory_space<vmem>>, %arg2: memref<3x4096x4096xf32, #tpu.memory_space<any>>, %arg3: memref<1x512x4096xf32, #tpu.memory_space<vmem>>) attributes {dimension_semantics = [#tpu.dimension_semantics<arbitrary>], iteration_bounds = array<i64: 8>, scalar_prefetch = 0 : i64, scratch_operands = 0 : i64, tpu.core_type = #tpu.core_type<tc>, window_params = [{transform_indices = @transform_0, window_bounds = array<i64: 2097152>}, {}, {transform_indices = @transform_2, window_bounds = array<i64: 1, 512, 4096>}]} {
    %get3A = arith.constant 0 : index
    %get3A_0 = vector.load %arg1[%get3A] : memref<2097152xf32, #tpu.memory_space<vmem>>, vector<2097152xf32>
    %reshape3A = vector.shape_cast %get3A_0 : vector<2097152xf32> to vector<1x512x4096xf32>
    %swap3A = arith.constant 0 : index
    %swap3A_1 = arith.constant 0 : index
    %swap3A_2 = arith.constant 0 : index
    %swap3A_3 = vector.load %arg3[%swap3A, %swap3A_1, %swap3A_2] : memref<1x512x4096xf32, #tpu.memory_space<vmem>>, vector<1x512x4096xf32>
    tpu.vector_store %arg3[%swap3A, %swap3A_1, %swap3A_2], %reshape3A {strides = array<i32>} : memref<1x512x4096xf32, #tpu.memory_space<vmem>>, vector<1x512x4096xf32>,
    return
  }
  func.func @transform_0(%arg0: i32) -> i32 {
    %c0_i32 = arith.constant 0 : i32
    return %arg0 : i32
  }
  func.func @transform_2(%arg0: i32) -> (i32, i32, i32) {
    %c1_i32 = arith.constant 1 : i32
    %c0_i32 = arith.constant 0 : i32
    %c0_i32_0 = arith.constant 0 : i32
    return %c1_i32, %arg0, %c0_i32 : i32, i32, i32
  }
}

module attributes {stable_mosaic.version = 14 : i64} {
  func.func @_retile_next_body(%arg0: i32, %arg1: memref<2097152xf32, #tpu.memory_space<vmem>>, %arg2: memref<3x4096x4096xf32, #tpu.memory_space<any>>, %arg3: memref<1x512x4096xf32, #tpu.memory_space<vmem>>) attributes {dimension_semantics = [#tpu.dimension_semantics<arbitrary>], iteration_bounds = array<i64: 8>, scalar_prefetch = 0 : i64, scratch_operands = 0 : i64, tpu.core_type = #tpu.core_type<tc>, window_params = [{transform_indices = @transform_0, window_bounds = array<i64: 2097152>}, {}, {transform_indices = @transform_2, window_bounds = array<i64: 1, 512, 4096>}]} {
    %get3A = arith.constant 0 : index
    %get3A_0 = vector.load %arg1[%get3A] : memref<2097152xf32, #tpu.memory_space<vmem>>, vector<2097152xf32>
    %reshape3A = vector.shape_cast %get3A_0 : vector<2097152xf32> to vector<1x512x4096xf32>
    %swap3A = arith.constant 0 : index
    %swap3A_1 = arith.constant 0 : index
    %swap3A_2 = arith.constant 0 : index
    %swap3A_3 = vector.load %arg3[%swap3A, %swap3A_1, %swap3A_2] : memref<1x512x4096xf32, #tpu.memory_space<vmem>>, vector<1x512x4096xf32>
    tpu.vector_store %arg3[%swap3A, %swap3A_1, %swap3A_2], %reshape3A {strides = array<i32>} : memref<1x512x4096xf32, #tpu.memory_space<vmem>>, vector<1x512x4096xf32>,
    return
  }
  func.func @transform_0(%arg0: i32) -> i32 {
    %c0_i32 = arith.constant 0 : i32
    return %arg0 : i32
  }
  func.func @transform_2(%arg0: i32) -> (i32, i32, i32) {
    %c2_i32 = arith.constant 2 : i32
    %c0_i32 = arith.constant 0 : i32
    %c0_i32_0 = arith.constant 0 : i32
    return %c2_i32, %arg0, %c0_i32 : i32, i32, i32
  }
}

</mosaic_0001>

<sc_bundles>
// kernel: sc_scatter_overwrite_1.11.cloned.1.call-start
scs
__scs_entry_jumppad:
0x0: {  	(pc) =	sbr.rel $0x88, $3  }
0x1: {  	(tag) =	ssettag $0x0;
	lr =	simm.s32 $0x1  }
0x2: {  	[smem:$0x3F9E] =	sst lr;
	_ =	strace $0xD0000000  }
0x3: {  	_ = 	snop  }
0x4: {  	_ = 	snop  }
0x5: {  	_ = 	snop  }
0x6: {  	_ = 	snop  }
0x7: {  	_ = 	snop  }
__scs_overlays_trampoline_lowered:
0x8: {  	[smem:$0x3FAD] =	sst s0  }
0x9: {  	[smem:$0x3FAE] =	sst s1  }
0xa: {  	[smem:$0x3FAF] =	sst s2  }
0xb: {  	[smem:$0x3FB0] =	sst s3  }
0xc: {  	[smem:$0x3FB1] =	sst s4  }
0xd: {  	[smem:$0x3FB2] =	sst s5  }
0xe: {  	[smem:$0x3FB3] =	sst s6  }
0xf: {  	[smem:$0x3FB4] =	sst s7  }
0x10: {  	[smem:$0x3FB5] =	sst s8  }
0x11: {  	[smem:$0x3FB6] =	sst s9;
	s0 =	simm.s32 @!p0 $0x0  }
0x12: {  	s1 =	sld [smem:$0x3F9C];
	s0 =	simm.s32 @p0 $0x1  }
0x13: {  	[smem:$0x3FB7] =	sst s0;
	s0 =	simm.s32 @!p1 $0x0  }
0x14: {  	s2 =	sld [smem:$0x3F9B];
	s0 =	simm.s32 @p1 $0x1  }
0x15: {  	[smem:$0x3FB8] =	sst s0;
	s0 =	simm.s32 @!p2 $0x0  }
0x16: {  	s3 =	sld [smem:$0x3FDB];
	s0 =	simm.s32 @p2 $0x1  }
0x17: {  	s4 =	simm.s32 $0x1BF5;
	[smem:$0x3FBA] =	sst s0  }
0x18: {  	s0 =	sld [smem:$0x3F9D];
	_ =	swait.ge [sflag:s4], $0x0  }
0x19: {  	s7 =	sld [smem:$0x3F9E]  }
0x1a: {  	s8 =	sadd.s32 $0xFFFFE003, lr  }
0x1b: {  	s9 =	sadd.s32 $0xFFFFFEF7, lr;
	s5 =	simm.s32 $0xFFFFFFFF;
	p2 =	slt.u32 s8, $0xFFFFF086  }
0x1c: {  	p1 =	slt.u32 s9, $0xF7A;
	s5 =	simm.s32 @!p2 $0x0  }
0x1d: {  	s5 =	simm.s32 @p1 $0x1;
	p0 =	seq.s32 s7, s2  }
0x1e: {  	s7 =	smul.u32 @!p0 $0xF7A, s2;
	p2 =	seq.s32 @!p0 s5, $0x0  }
0x1f: {  	s9 =	smul.u32 $0xF7A, s1;
	s8 =	simm.s32 @!p0 $0x1BF5;
	p2 =	por !p2, p0  }
0x20: {  	[sflag:s8] =	ssyncset.s32 @!p0 $0xFFFFF086;
	s6 =	sadd.s32 @!p0 s3, s7;
	s7 =	simm.s32 @!p0 $0x108  }
0x21: {  	s3 =	sadd.s32 s3, s9;
	s6 =	sadd.s32 @!p0 $0x88, s6;
	s7 =	simm.s32 @p2 $0x1082  }
0x22: {  	[simem:s7], [sflag:s8] =	dma.local @!p0 [hbm:s6], $0xF7A  }
0x23: {  	s9 =	sor.u32 $0xD0000000, s2;
	s6 =	simm.s32 $0x108;
	_ =	swait.ge @!p0 [sflag:s8], $0x0  }
0x24: {  	s3 =	sadd.s32 $0x88, s3;
	s6 =	simm.s32 @!p1 $0x1082;
	[sflag:s4] =	ssyncset.s32 $0xFFFFF086  }
0x25: {  	[simem:s6], [sflag:s4] =	dma.local [hbm:s3], $0xF7A  }
0x26: {  	[smem:$0x3F9E] =	sst s1;
	(tag) =	ssettag s2;
	_ =	strace s9  }
0x27: {  	s1 =	sld [smem:$0x3FAE]  }
0x28: {  	s2 =	sld [smem:$0x3FAF]  }
0x29: {  	s4 =	sld [smem:$0x3FB1]  }
0x2a: {  	p0 =	seq.s32 s5, $0x0;
	s5 =	sld [smem:$0x3FB2]  }
0x2b: {  	s6 =	sld [smem:$0x3FB3]  }
0x2c: {  	s7 =	sld [smem:$0x3FB4]  }
0x2d: {  	s3 =	simm.s32 $0x108;
	s8 =	sld [smem:$0x3FB5]  }
0x2e: {  	s3 =	simm.s32 @!p0 $0x1082;
	s9 =	sld [smem:$0x3FB6]  }
0x2f: {  	lr =	sadd.s32 s0, s3;
	s0 =	sld [smem:$0x3FAD]  }
0x30: {  	s3 =	sld [smem:$0x3FB0]  }
0x31: {  	[smem:$0x3FB9] =	sst s10  }
0x32: {  	s10 =	sld [smem:$0x3FB7];
	_ =	sdelay $0x3  }
0x33: {  	p0 =	seq.s32 s10, $0x1;
	s10 =	sld [smem:$0x3FB9];
	_ =	sdelay $0x3  }
0x34: {  	[smem:$0x3FB9] =	sst s10  }
0x35: {  	s10 =	sld [smem:$0x3FB8];
	_ =	sdelay $0x3  }
0x36: {  	p1 =	seq.s32 s10, $0x1;
	s10 =	sld [smem:$0x3FB9];
	_ =	sdelay $0x3  }
0x37: {  	[smem:$0x3FB9] =	sst s10  }
0x38: {  	s10 =	sld [smem:$0x3FBA]  }
0x39: {  	_ = 	snop;
	(pc) =	sbr.ind lr, $3  }
0x3a: {  	_ = 	snop  }
0x3b: {  	_ = 	snop  }
0x3c: {  	p2 =	seq.s32 s10, $0x1;
	s10 =	sld [smem:$0x3FB9]  }
0x3d: {  	_ =	shalt  }
0x3e: {  	_ =	shalt  }
0x3f: {  	_ =	shalt  }
0x40: {  	_ =	shalt  }
0x41: {  	_ =	shalt  }
0x42: {  	_ =	shalt  }
0x43: {  	_ =	shalt  }
0x44: {  	_ =	shalt  }
0x45: {  	_ =	shalt  }
0x46: {  	_ =	shalt  }
0x47: {  	_ =	shalt  }
0x48: {  	_ =	shalt  }
0x49: {  	_ =	shalt  }
0x4a: {  	_ =	shalt  }
0x4b: {  	_ =	shalt  }
0x4c: {  	_ =	shalt  }
0x4d: {  	_ =	shalt  }
0x4e: {  	_ =	shalt  }
0x4f: {  	_ =	shalt  }
0x50: {  	_ =	shalt  }
0x51: {  	_ =	shalt  }
0x52: {  	_ =	shalt  }
0x53: {  	_ =	shalt  }
0x54: {  	_ =	shalt  }
0x55: {  	_ =	shalt  }
0x56: {  	_ =	shalt  }
0x57: {  	_ =	shalt  }
0x58: {  	_ =	shalt  }
0x59: {  	_ =	shalt  }
0x5a: {  	_ =	shalt  }
0x5b: {  	_ =	shalt  }
0x5c: {  	_ =	shalt  }
0x5d: {  	_ =	shalt  }
0x5e: {  	_ =	shalt  }
0x5f: {  	_ =	shalt  }
0x60: {  	_ =	shalt  }
0x61: {  	_ =	shalt  }
0x62: {  	_ =	shalt  }
0x63: {  	_ =	shalt  }
0x64: {  	_ =	shalt  }
0x65: {  	_ =	shalt  }
0x66: {  	_ =	shalt  }
0x67: {  	_ =	shalt  }
0x68: {  	_ =	shalt  }
0x69: {  	_ =	shalt  }
0x6a: {  	_ =	shalt  }
0x6b: {  	_ =	shalt  }
0x6c: {  	_ =	shalt  }
0x6d: {  	_ =	shalt  }
0x6e: {  	_ =	shalt  }
0x6f: {  	_ =	shalt  }
0x70: {  	_ =	shalt  }
0x71: {  	_ =	shalt  }
0x72: {  	_ =	shalt  }
0x73: {  	_ =	shalt  }
0x74: {  	_ =	shalt  }
0x75: {  	_ =	shalt  }
0x76: {  	_ =	shalt  }
0x77: {  	_ =	shalt  }
0x78: {  	_ =	shalt  }
0x79: {  	_ =	shalt  }
0x7a: {  	_ =	shalt  }
0x7b: {  	_ =	shalt  }
0x7c: {  	_ =	shalt  }
0x7d: {  	_ =	shalt  }
0x7e: {  	_ =	shalt  }
0x7f: {  	_ =	shalt  }
0x80: {  	_ =	shalt  }
0x81: {  	_ =	shalt  }
0x82: {  	_ =	shalt  }
0x83: {  	_ =	shalt  }
0x84: {  	_ =	shalt  }
0x85: {  	_ =	shalt  }
0x86: {  	_ =	shalt  }
0x87: {  	_ =	shalt  }
.Lfunc_end0:
.L_simem_size_0:
called_computation.2_lowered:
.L_overlay_start_0:
0x88: {  	s2 =	sld [smem:$0x3FD9]  }
0x89: {  	s3 =	sld [smem:$0x3FFE];
	_ =	sdelay $0x1  }
0x8a: {  	s1 =	srdreg.scid  }
0x8b: {  	s0 =	sand.u32 $0x1, s1  }
0x8c: {  	s17 =	sshll.u32 s0, $0xA;
	s2 =	sadd.s32 s3, s2  }
0x8d: {  	s2 =	sadd.s32 s2, s17  }
0x8e: {  	[smem:$0x3FC5] =	sst s2  }
0x8f: {  	_ = 	snop  }
0x90: {  	(tm) =	ssettm $0x1  }
0x91: {  	s18 =	sld [smem:$0x3FFB];
	_ =	sdelay $0x3  }
0x92: {  	_ =	strace s18  }
0x93: {  	s2 =	sld [smem:$0x3FFC];
	_ =	sdelay $0x3  }
0x94: {  	_ =	strace s2  }
0x95: {  	s2 =	sld [smem:$0x3FFD];
	_ =	sdelay $0x3  }
0x96: {  	_ =	strace s2  }
0x97: {  	_ =	strace $0x8FFFFFFF  }
0x98: {  	s19 =	sld [smem:$0x3FDB];
	_ =	sdelay $0x1  }
0x99: {  	s20 =	simm.s32 $_scs_section_size  }
0x9a: {  	s4 =	simm.s32 $_size__tile_overlayer_lowered;
	s5 =	simm.s32 $_tile_overlayer_lowered  }
0x9b: {  	s6 =	simm.s32 $0x1BFF;
	s21 =	sshll.u32 s5, $0x1;
	s3 =	sadd.s32 s20, s19  }
0x9c: {  	s22 =	simm.s32 $0x0;
	s4 =	sshll.u32 s4, $0x1;
	s5 =	sadd.s32 s21, s3  }
0x9d: {  	[timem:s22], [sflag:s6] =	dma.local [hbm:s5], s4  }
0x9e: {  	_ =	swait.ge [sflag:s6], s4  }
0x9f: {  	s4 =	ssub.s32 $0x0, s4;
	[sflag:s6] =	ssyncset.done $0x0  }
0xa0: {  	[sflag:s6] =	ssyncadd.s32 s4;
	_ =	sdelay $0x1  }
0xa1: {  	s23 =	simm.s32 $0x1B8B  }
0xa2: {  	_ =	swait.ge [sflag:s23], $0x1  }
0xa3: {  	[sflag:s23] =	ssyncset.done $0x0  }
0xa4: {  	[sflag:s23] =	ssyncadd.s32 $0xFFFFFFFF  }
0xa5: {  	s4 =	sld [smem:$0x0]  }
0xa6: {  	s5 =	sand.u32 $0xFFFFFFFE, s1  }
0xa7: {  	p0 =	sne.s32 s1, s5  }
0xa8: {  	s5 =	sshll.u32 @p0 s5, $0xE  }
0xa9: {  	s5 =	sadd.s32 @p0 $0x11B8D, s5;
	s6 =	sshll.u32 @p0 s4, $0x11  }
0xaa: {  	s5 =	sor.u32 @p0 s6, s5  }
0xab: {  	[sflag:s5] =	ssyncadd.remote.s32 @p0 $0x1;
	_ =	sdelay $0x1  }
0xac: {  	s5 =	simm.s32 @p0 $0x1B8D  }
0xad: {  	_ =	swait.eq @p0 [sflag:s5], $0x1  }
0xae: {  	[sflag:s5] =	ssyncadd.s32 @p0 $0xFFFFFFFF  }
0xaf: {  	s6 =	sshll.u32 @!p0 s1, $0xE  }
0xb0: {  	s6 =	sor.u32 @!p0 $0x4000, s6;
	s5 =	simm.s32 @!p0 $0x1B8D  }
0xb1: {  	s4 =	sshll.u32 @!p0 s4, $0x11;
	s6 =	sadd.s32 @!p0 $0x11B8D, s6;
	_ =	swait.eq @!p0 [sflag:s5], $0x1  }
0xb2: {  	s4 =	sor.u32 @!p0 s4, s6;
	[sflag:s5] =	ssyncadd.s32 @!p0 $0xFFFFFFFF  }
0xb3: {  	s25 =	simm.s32 $0x1B8E;
	s24 =	sld [smem:$0x3FFE];
	[sflag:s4] =	ssyncadd.remote.s32 @!p0 $0x1  }
0xb4: {  	s26 =	simm.s32 $execute0_lowered;
	[smem:$0x3FD2] =	sst s25  }
0xb5: {  	s5 =	sshll.u32 s26, $0x1;
	_ =	strace $0x8000004C;
	[dreg:$0x1] =	wrdreg $0xFFFFFFFF  }
0xb6: {  	s28 =	simm.s32 $_size_execute0_lowered;
	s3 =	sadd.s32 s3, s5;
	[dreg:$0x0] =	wrdreg $0x0  }
0xb7: {  	s5 =	sshll.u32 s28, $0x1;
	[dreg:$0x2] =	wrdreg s3  }
0xb8: {  	[dreg:$0x3] =	wrdreg s5  }
0xb9: {  	[dreg:$0x4] =	wrdreg $0xC0  }
0xba: {  	_ =	task [dreg:s22], $0x5FFFF  }
0xbb: {  	[dreg:$0x1] =	wrdreg $0xFFFFFFFF  }
0xbc: {  	[dreg:$0x0] =	wrdreg $0x60  }
0xbd: {  	[dreg:$0x2] =	wrdreg s24  }
0xbe: {  	[dreg:$0x3] =	wrdreg $0xB  }
0xbf: {  	_ =	task.clear_ibuf [dreg:s22], $0x4FFFF;
	_ =	strace $0x9000004C  }
0xc0: {  	s29 =	simm.s32 $0xB;
	_ =	strace $0x8000004E  }
0xc1: {  	_ =	swait.ge [sflag:s29], $0x1  }
0xc2: {  	[sflag:s29] =	ssyncadd.s32 $0xFFFFFFFF  }
0xc3: {  	_ =	strace $0x9000004E  }
0xc4: {  	_ =	sfence  }
0xc5: {  	s30 =	sld [smem:$0x0];
	_ =	sdelay $0x2  }
0xc6: {  	s31 =	sshll.u32 s1, $0xD;
	s1 =	sshrl.u32 s1, $0x2  }
0xc7: {  	s4 =	sand.u32 $0x4000, s31;
	s1 =	sadd.s32 s1, s30  }
0xc8: {  	s0 =	sor.u32 s4, s0;
	s1 =	sshll.u32 s1, $0x11  }
0xc9: {  	s0 =	sor.u32 s1, s0  }
0xca: {  	s0 =	sadd.s32 $0x8F2B, s0  }
0xcb: {  	[sflag:s0] =	ssyncadd.remote.s32 $0x1  }
0xcc: {  	_ =	sfence.sel $0xFFFF  }
0xcd: {  	[dreg:$0x0] =	wrdreg $0xFFFFFFFF;
	(pc) =	sbr.abs _section_cstart, $3  }
0xce: {  	[dreg:$0x1] =	wrdreg $0xFFFFFFFF  }
0xcf: {  	_ =	task.clear_ibuf [dreg:s22], $0x2FFFF;
	_ =	strace $0x9FFFFFFF  }
0xd0: {  	(tm) =	ssettm $0x7FFFFFFF  }
0xd1: {  	_ =	shalt  }
tec
execute0_lowered:
.L_overlay_start_1:
0x0: {  	(tag) =	ssettag $0x1  }
0x1: {  	s3 =	rddreg [dreg:$0x0]  }
0x2: {  	s0 =	rddreg [dreg:$0x1];
	s4 =	srdreg.scid  }
0x3: {  	s2 =	simm.s32 $0x0;
	s1 =	stileid.u32;
	s7 =	simm.s32 $0x2  }
0x4: {  	s8 =	simm.s32 $0x1000;
	s9 =	simm.s32 $0x80;
	s10 =	simm.s32 $0x1  }
0x5: {  	s11 =	simm.s32 $0x0;
	s4 =	sand.u32 $0x1, s4;
	[smem:$0x7FF] =	sst s2  }
0x6: {  	s5 =	sshll.u32 s1, $0xA;
	s6 =	sshll.u32 s4, $0x9;
	s4 =	ssub.s32 $0x2, s4  }
0x7: {  	_ =	strace $0x8000004D;
	s5 =	sor.u32 s6, s5;
	s31 =	sshrl.u32 s4, $0x1  }
0x8: {  	s5 =	sadd.s32 s5, s3;
	s3 =	sadd.s32 $0x416000, s3;
	s6 =	ssub.s32 s4, s31  }
0x9: {  	s4 =	sadd.s32 $0x206000, s5;
	s5 =	sadd.s32 $0x20E000, s5;
	s6 =	smax.u32 s6, $0x1  }
.LBB2_1:
0xa: {  	[tilespmem:s2], [sflag:$0x2] =	stream.linear.gather [hbm4b:s4+s2], $0x1000, $0x38;
	[tilespmem:$0x2000] =	vst v63  }
0xb: {  	_ =	swait.ge [sflag:s7], $0x1000  }
0xc: {  	[sflag:s7] =	ssyncset.done $0x0  }
0xd: {  	[sflag:s7] =	ssyncadd.s32 $0xFFFFF000  }
0xe: {  	[tilespmem:s8], [sflag:$0x2] =	stream.linear.gather [hbm4b:s5+s2], $0x1000, $0x38;
	[tilespmem:$0x2000] =	vst v63  }
0xf: {  	_ =	swait.ge [sflag:s7], $0x1000  }
0x10: {  	s12 =	simm.s32 $0x200;
	[sflag:s7] =	ssyncset.done $0x0  }
0x11: {  	s13 =	simm.s32 $0x0;
	s14 =	simm.s32 $0x1000;
	[sflag:s7] =	ssyncadd.s32 $0xFFFFF000  }
.LBB2_2:
0x12: {  	[hbm4b:s3+s9] =	stream.indirect.scatter [tilespmem:s14], [sflag:$0x1], $0x1, s13, s9, $0xb8;
	[tilespmem:$0x2000] =	vst v63  }
0x13: {  	s13 =	smov.u32 s12;
	p0 =	sne.s32 s12, $0x3E00  }
.Ltmp0:
0x14: {  	s12 =	sadd.s32 $0x200, s12;
	(pc) =	sbr.rel @p0 .LBB2_2-.Ltmp0, $3  }
0x15: {  	_ =	sdelay $0x1  }
0x16: {  	s13 =	sshra.s32 s13, $0x2  }
0x17: {  	s14 =	sadd.s32 $0x1000, s13  }
0x18: {  	[hbm4b:s3+s9] =	stream.indirect.scatter [tilespmem:s14], [sflag:$0x1], $0x1, s13, s9, $0xb8;
	[tilespmem:$0x2000] =	vst v63  }
0x19: {  	_ =	swait.ge [sflag:s10], $0x80  }
0x1a: {  	[sflag:s10] =	ssyncset.done $0x0  }
0x1b: {  	[sflag:s10] =	ssyncadd.s32 $0xFFFFFF80  }
0x1c: {  	_ =	swait.ge [sflag:s10], $0x80  }
0x1d: {  	[sflag:s10] =	ssyncset.done $0x0  }
0x1e: {  	[sflag:s10] =	ssyncadd.s32 $0xFFFFFF80  }
0x1f: {  	_ =	swait.ge [sflag:s10], $0x80  }
0x20: {  	[sflag:s10] =	ssyncset.done $0x0  }
0x21: {  	[sflag:s10] =	ssyncadd.s32 $0xFFFFFF80  }
0x22: {  	_ =	swait.ge [sflag:s10], $0x80  }
0x23: {  	[sflag:s10] =	ssyncset.done $0x0  }
0x24: {  	[sflag:s10] =	ssyncadd.s32 $0xFFFFFF80  }
0x25: {  	_ =	swait.ge [sflag:s10], $0x80  }
0x26: {  	[sflag:s10] =	ssyncset.done $0x0  }
0x27: {  	[sflag:s10] =	ssyncadd.s32 $0xFFFFFF80  }
0x28: {  	_ =	swait.ge [sflag:s10], $0x80  }
0x29: {  	[sflag:s10] =	ssyncset.done $0x0  }
0x2a: {  	[sflag:s10] =	ssyncadd.s32 $0xFFFFFF80  }
0x2b: {  	_ =	swait.ge [sflag:s10], $0x80  }
0x2c: {  	[sflag:s10] =	ssyncset.done $0x0  }
0x2d: {  	[sflag:s10] =	ssyncadd.s32 $0xFFFFFF80  }
0x2e: {  	_ =	swait.ge [sflag:s10], $0x80  }
0x2f: {  	[sflag:s10] =	ssyncset.done $0x0  }
0x30: {  	[sflag:s10] =	ssyncadd.s32 $0xFFFFFF80  }
0x31: {  	_ =	swait.ge [sflag:s10], $0x80  }
0x32: {  	[sflag:s10] =	ssyncset.done $0x0  }
0x33: {  	[sflag:s10] =	ssyncadd.s32 $0xFFFFFF80  }
0x34: {  	_ =	swait.ge [sflag:s10], $0x80  }
0x35: {  	[sflag:s10] =	ssyncset.done $0x0  }
0x36: {  	[sflag:s10] =	ssyncadd.s32 $0xFFFFFF80  }
0x37: {  	_ =	swait.ge [sflag:s10], $0x80  }
0x38: {  	[sflag:s10] =	ssyncset.done $0x0  }
0x39: {  	[sflag:s10] =	ssyncadd.s32 $0xFFFFFF80  }
0x3a: {  	_ =	swait.ge [sflag:s10], $0x80  }
0x3b: {  	[sflag:s10] =	ssyncset.done $0x0  }
0x3c: {  	[sflag:s10] =	ssyncadd.s32 $0xFFFFFF80  }
0x3d: {  	_ =	swait.ge [sflag:s10], $0x80  }
0x3e: {  	[sflag:s10] =	ssyncset.done $0x0  }
0x3f: {  	[sflag:s10] =	ssyncadd.s32 $0xFFFFFF80  }
0x40: {  	_ =	swait.ge [sflag:s10], $0x80  }
0x41: {  	[sflag:s10] =	ssyncset.done $0x0  }
0x42: {  	[sflag:s10] =	ssyncadd.s32 $0xFFFFFF80  }
0x43: {  	_ =	swait.ge [sflag:s10], $0x80  }
0x44: {  	[sflag:s10] =	ssyncset.done $0x0  }
0x45: {  	[sflag:s10] =	ssyncadd.s32 $0xFFFFFF80  }
0x46: {  	_ =	swait.ge [sflag:s10], $0x80  }
0x47: {  	[sflag:s10] =	ssyncset.done $0x0  }
0x48: {  	[sflag:s10] =	ssyncadd.s32 $0xFFFFFF80  }
0x49: {  	_ =	swait.ge [sflag:s10], $0x80  }
0x4a: {  	[sflag:s10] =	ssyncset.done $0x0  }
0x4b: {  	[sflag:s10] =	ssyncadd.s32 $0xFFFFFF80  }
0x4c: {  	_ =	swait.ge [sflag:s10], $0x80  }
0x4d: {  	[sflag:s10] =	ssyncset.done $0x0  }
0x4e: {  	[sflag:s10] =	ssyncadd.s32 $0xFFFFFF80  }
0x4f: {  	_ =	swait.ge [sflag:s10], $0x80  }
0x50: {  	[sflag:s10] =	ssyncset.done $0x0  }
0x51: {  	[sflag:s10] =	ssyncadd.s32 $0xFFFFFF80  }
0x52: {  	_ =	swait.ge [sflag:s10], $0x80  }
0x53: {  	[sflag:s10] =	ssyncset.done $0x0  }
0x54: {  	[sflag:s10] =	ssyncadd.s32 $0xFFFFFF80  }
0x55: {  	_ =	swait.ge [sflag:s10], $0x80  }
0x56: {  	[sflag:s10] =	ssyncset.done $0x0  }
0x57: {  	[sflag:s10] =	ssyncadd.s32 $0xFFFFFF80  }
0x58: {  	_ =	swait.ge [sflag:s10], $0x80  }
0x59: {  	[sflag:s10] =	ssyncset.done $0x0  }
0x5a: {  	[sflag:s10] =	ssyncadd.s32 $0xFFFFFF80  }
0x5b: {  	_ =	swait.ge [sflag:s10], $0x80  }
0x5c: {  	[sflag:s10] =	ssyncset.done $0x0  }
0x5d: {  	[sflag:s10] =	ssyncadd.s32 $0xFFFFFF80  }
0x5e: {  	_ =	swait.ge [sflag:s10], $0x80  }
0x5f: {  	[sflag:s10] =	ssyncset.done $0x0  }
0x60: {  	[sflag:s10] =	ssyncadd.s32 $0xFFFFFF80  }
0x61: {  	_ =	swait.ge [sflag:s10], $0x80  }
0x62: {  	[sflag:s10] =	ssyncset.done $0x0  }
0x63: {  	[sflag:s10] =	ssyncadd.s32 $0xFFFFFF80  }
0x64: {  	_ =	swait.ge [sflag:s10], $0x80  }
0x65: {  	[sflag:s10] =	ssyncset.done $0x0  }
0x66: {  	[sflag:s10] =	ssyncadd.s32 $0xFFFFFF80  }
0x67: {  	_ =	swait.ge [sflag:s10], $0x80  }
0x68: {  	[sflag:s10] =	ssyncset.done $0x0  }
0x69: {  	[sflag:s10] =	ssyncadd.s32 $0xFFFFFF80  }
0x6a: {  	_ =	swait.ge [sflag:s10], $0x80  }
0x6b: {  	[sflag:s10] =	ssyncset.done $0x0  }
0x6c: {  	[sflag:s10] =	ssyncadd.s32 $0xFFFFFF80  }
0x6d: {  	_ =	swait.ge [sflag:s10], $0x80  }
0x6e: {  	[sflag:s10] =	ssyncset.done $0x0  }
0x6f: {  	[sflag:s10] =	ssyncadd.s32 $0xFFFFFF80  }
0x70: {  	_ =	swait.ge [sflag:s10], $0x80  }
0x71: {  	[sflag:s10] =	ssyncset.done $0x0  }
0x72: {  	s11 =	sadd.s32 $0x1, s11;
	[sflag:s10] =	ssyncadd.s32 $0xFFFFFF80  }
0x73: {  	p0 =	sne.s32 s11, s6;
	_ =	swait.ge [sflag:s10], $0x80  }
.Ltmp1:
0x74: {  	[sflag:s10] =	ssyncset.done $0x0;
	(pc) =	sbr.rel @p0 .LBB2_1-.Ltmp1, $4  }
0x75: {  	[sflag:s10] =	ssyncadd.s32 $0xFFFFFF80  }
0x76: {  	_ =	swait.ge [sflag:s10], $0x80  }
0x77: {  	[sflag:s10] =	ssyncset.done $0x0  }
0x78: {  	[sflag:s10] =	ssyncadd.s32 $0xFFFFFF80  }
0x79: {  	_ =	sfence.sel $0x180000  }
0x7a: {  	[bflag:$0x0] =	sbarrier.arrive $0xFFFF  }
0x7b: {  	p0 =	sne.s32 s1, $0x0;
	_ =	strace $0x9000004D  }
0x7c: {  	s0 =	sadd.s32 @!p0 $0x100000, s0;
	[bflag:$0x2] =	sbarrier.arrive $0xFFFF  }
0x7d: {  	[sflag:s0] =	ssyncadd.tile.s32 @!p0 $0x1;
	_ =	shalt  }
.Lfunc_end2:
_tile_overlayer_lowered:
.L_overlay_start_2:
0x7e: {  	(tag) =	ssettag $0x2  }
0x7f: {  	s0 =	rddreg [dreg:$0x0];
	s2 =	stileid.u32  }
0x80: {  	s1 =	rddreg [dreg:$0x1];
	p0 =	sne.s32 s2, $0x0  }
0x81: {  	s3 =	rddreg [dreg:$0x2];
	[bflag:$0x3] =	sbarrier.arrive $0xFFFF;
	s2 =	simm.s32 @!p0 $0x1C02  }
0x82: {  	[timem:s3], [sflag:s2] =	dma.local @!p0 [hbm:s0], s1  }
0x83: {  	s0 =	simm.s32 @!p0 $0x2  }
0x84: {  	_ =	swait.ge @!p0 [sflag:s0], s1  }
0x85: {  	s1 =	ssub.s32 @!p0 $0x0, s1;
	[sflag:s0] =	ssyncset.done @!p0 $0x0  }
0x86: {  	[sflag:s0] =	ssyncadd.s32 @!p0 s1  }
0x87: {  	[bflag:$0x3] =	sbarrier.arrive $0xFFFF  }
0x88: {  	_ =	shalt  }

// kernel: sc_scatter_overwrite_1.5.cloned.1.call-start
scs
__scs_entry_jumppad:
0x0: {  	(pc) =	sbr.rel $0x88, $3  }
0x1: {  	(tag) =	ssettag $0x0;
	lr =	simm.s32 $0x1  }
0x2: {  	[smem:$0x3F9E] =	sst lr;
	_ =	strace $0xD0000000  }
0x3: {  	_ = 	snop  }
0x4: {  	_ = 	snop  }
0x5: {  	_ = 	snop  }
0x6: {  	_ = 	snop  }
0x7: {  	_ = 	snop  }
__scs_overlays_trampoline_lowered:
0x8: {  	[smem:$0x3FAD] =	sst s0  }
0x9: {  	[smem:$0x3FAE] =	sst s1  }
0xa: {  	[smem:$0x3FAF] =	sst s2  }
0xb: {  	[smem:$0x3FB0] =	sst s3  }
0xc: {  	[smem:$0x3FB1] =	sst s4  }
0xd: {  	[smem:$0x3FB2] =	sst s5  }
0xe: {  	[smem:$0x3FB3] =	sst s6  }
0xf: {  	[smem:$0x3FB4] =	sst s7  }
0x10: {  	[smem:$0x3FB5] =	sst s8  }
0x11: {  	[smem:$0x3FB6] =	sst s9;
	s0 =	simm.s32 @!p0 $0x0  }
0x12: {  	s1 =	sld [smem:$0x3F9C];
	s0 =	simm.s32 @p0 $0x1  }
0x13: {  	[smem:$0x3FB7] =	sst s0;
	s0 =	simm.s32 @!p1 $0x0  }
0x14: {  	s2 =	sld [smem:$0x3F9B];
	s0 =	simm.s32 @p1 $0x1  }
0x15: {  	[smem:$0x3FB8] =	sst s0;
	s0 =	simm.s32 @!p2 $0x0  }
0x16: {  	s3 =	sld [smem:$0x3FDB];
	s0 =	simm.s32 @p2 $0x1  }
0x17: {  	s4 =	simm.s32 $0x1BF5;
	[smem:$0x3FBA] =	sst s0  }
0x18: {  	s0 =	sld [smem:$0x3F9D];
	_ =	swait.ge [sflag:s4], $0x0  }
0x19: {  	s7 =	sld [smem:$0x3F9E]  }
0x1a: {  	s8 =	sadd.s32 $0xFFFFE003, lr  }
0x1b: {  	s9 =	sadd.s32 $0xFFFFFEF7, lr;
	s5 =	simm.s32 $0xFFFFFFFF;
	p2 =	slt.u32 s8, $0xFFFFF086  }
0x1c: {  	p1 =	slt.u32 s9, $0xF7A;
	s5 =	simm.s32 @!p2 $0x0  }
0x1d: {  	s5 =	simm.s32 @p1 $0x1;
	p0 =	seq.s32 s7, s2  }
0x1e: {  	s7 =	smul.u32 @!p0 $0xF7A, s2;
	p2 =	seq.s32 @!p0 s5, $0x0  }
0x1f: {  	s9 =	smul.u32 $0xF7A, s1;
	s8 =	simm.s32 @!p0 $0x1BF5;
	p2 =	por !p2, p0  }
0x20: {  	[sflag:s8] =	ssyncset.s32 @!p0 $0xFFFFF086;
	s6 =	sadd.s32 @!p0 s3, s7;
	s7 =	simm.s32 @!p0 $0x108  }
0x21: {  	s3 =	sadd.s32 s3, s9;
	s6 =	sadd.s32 @!p0 $0x88, s6;
	s7 =	simm.s32 @p2 $0x1082  }
0x22: {  	[simem:s7], [sflag:s8] =	dma.local @!p0 [hbm:s6], $0xF7A  }
0x23: {  	s9 =	sor.u32 $0xD0000000, s2;
	s6 =	simm.s32 $0x108;
	_ =	swait.ge @!p0 [sflag:s8], $0x0  }
0x24: {  	s3 =	sadd.s32 $0x88, s3;
	s6 =	simm.s32 @!p1 $0x1082;
	[sflag:s4] =	ssyncset.s32 $0xFFFFF086  }
0x25: {  	[simem:s6], [sflag:s4] =	dma.local [hbm:s3], $0xF7A  }
0x26: {  	[smem:$0x3F9E] =	sst s1;
	(tag) =	ssettag s2;
	_ =	strace s9  }
0x27: {  	s1 =	sld [smem:$0x3FAE]  }
0x28: {  	s2 =	sld [smem:$0x3FAF]  }
0x29: {  	s4 =	sld [smem:$0x3FB1]  }
0x2a: {  	p0 =	seq.s32 s5, $0x0;
	s5 =	sld [smem:$0x3FB2]  }
0x2b: {  	s6 =	sld [smem:$0x3FB3]  }
0x2c: {  	s7 =	sld [smem:$0x3FB4]  }
0x2d: {  	s3 =	simm.s32 $0x108;
	s8 =	sld [smem:$0x3FB5]  }
0x2e: {  	s3 =	simm.s32 @!p0 $0x1082;
	s9 =	sld [smem:$0x3FB6]  }
0x2f: {  	lr =	sadd.s32 s0, s3;
	s0 =	sld [smem:$0x3FAD]  }
0x30: {  	s3 =	sld [smem:$0x3FB0]  }
0x31: {  	[smem:$0x3FB9] =	sst s10  }
0x32: {  	s10 =	sld [smem:$0x3FB7];
	_ =	sdelay $0x3  }
0x33: {  	p0 =	seq.s32 s10, $0x1;
	s10 =	sld [smem:$0x3FB9];
	_ =	sdelay $0x3  }
0x34: {  	[smem:$0x3FB9] =	sst s10  }
0x35: {  	s10 =	sld [smem:$0x3FB8];
	_ =	sdelay $0x3  }
0x36: {  	p1 =	seq.s32 s10, $0x1;
	s10 =	sld [smem:$0x3FB9];
	_ =	sdelay $0x3  }
0x37: {  	[smem:$0x3FB9] =	sst s10  }
0x38: {  	s10 =	sld [smem:$0x3FBA]  }
0x39: {  	_ = 	snop;
	(pc) =	sbr.ind lr, $3  }
0x3a: {  	_ = 	snop  }
0x3b: {  	_ = 	snop  }
0x3c: {  	p2 =	seq.s32 s10, $0x1;
	s10 =	sld [smem:$0x3FB9]  }
0x3d: {  	_ =	shalt  }
0x3e: {  	_ =	shalt  }
0x3f: {  	_ =	shalt  }
0x40: {  	_ =	shalt  }
0x41: {  	_ =	shalt  }
0x42: {  	_ =	shalt  }
0x43: {  	_ =	shalt  }
0x44: {  	_ =	shalt  }
0x45: {  	_ =	shalt  }
0x46: {  	_ =	shalt  }
0x47: {  	_ =	shalt  }
0x48: {  	_ =	shalt  }
0x49: {  	_ =	shalt  }
0x4a: {  	_ =	shalt  }
0x4b: {  	_ =	shalt  }
0x4c: {  	_ =	shalt  }
0x4d: {  	_ =	shalt  }
0x4e: {  	_ =	shalt  }
0x4f: {  	_ =	shalt  }
0x50: {  	_ =	shalt  }
0x51: {  	_ =	shalt  }
0x52: {  	_ =	shalt  }
0x53: {  	_ =	shalt  }
0x54: {  	_ =	shalt  }
0x55: {  	_ =	shalt  }
0x56: {  	_ =	shalt  }
0x57: {  	_ =	shalt  }
0x58: {  	_ =	shalt  }
0x59: {  	_ =	shalt  }
0x5a: {  	_ =	shalt  }
0x5b: {  	_ =	shalt  }
0x5c: {  	_ =	shalt  }
0x5d: {  	_ =	shalt  }
0x5e: {  	_ =	shalt  }
0x5f: {  	_ =	shalt  }
0x60: {  	_ =	shalt  }
0x61: {  	_ =	shalt  }
0x62: {  	_ =	shalt  }
0x63: {  	_ =	shalt  }
0x64: {  	_ =	shalt  }
0x65: {  	_ =	shalt  }
0x66: {  	_ =	shalt  }
0x67: {  	_ =	shalt  }
0x68: {  	_ =	shalt  }
0x69: {  	_ =	shalt  }
0x6a: {  	_ =	shalt  }
0x6b: {  	_ =	shalt  }
0x6c: {  	_ =	shalt  }
0x6d: {  	_ =	shalt  }
0x6e: {  	_ =	shalt  }
0x6f: {  	_ =	shalt  }
0x70: {  	_ =	shalt  }
0x71: {  	_ =	shalt  }
0x72: {  	_ =	shalt  }
0x73: {  	_ =	shalt  }
0x74: {  	_ =	shalt  }
0x75: {  	_ =	shalt  }
0x76: {  	_ =	shalt  }
0x77: {  	_ =	shalt  }
0x78: {  	_ =	shalt  }
0x79: {  	_ =	shalt  }
0x7a: {  	_ =	shalt  }
0x7b: {  	_ =	shalt  }
0x7c: {  	_ =	shalt  }
0x7d: {  	_ =	shalt  }
0x7e: {  	_ =	shalt  }
0x7f: {  	_ =	shalt  }
0x80: {  	_ =	shalt  }
0x81: {  	_ =	shalt  }
0x82: {  	_ =	shalt  }
0x83: {  	_ =	shalt  }
0x84: {  	_ =	shalt  }
0x85: {  	_ =	shalt  }
0x86: {  	_ =	shalt  }
0x87: {  	_ =	shalt  }
.Lfunc_end0:
.L_simem_size_0:
called_computation_lowered:
.L_overlay_start_0:
0x88: {  	s2 =	sld [smem:$0x3FD9]  }
0x89: {  	s3 =	sld [smem:$0x3FFE];
	_ =	sdelay $0x1  }
0x8a: {  	s1 =	srdreg.scid  }
0x8b: {  	s0 =	sand.u32 $0x1, s1  }
0x8c: {  	s17 =	sshll.u32 s0, $0xA;
	s2 =	sadd.s32 s3, s2  }
0x8d: {  	s2 =	sadd.s32 s2, s17  }
0x8e: {  	[smem:$0x3FC5] =	sst s2  }
0x8f: {  	_ = 	snop  }
0x90: {  	s2 =	sld [smem:$0x3FD0];
	(tm) =	ssettm $0x1  }
0x91: {  	s18 =	sld [smem:$0x3FFB];
	_ =	sdelay $0x3  }
0x92: {  	_ =	strace s18  }
0x93: {  	s3 =	sld [smem:$0x3FFC];
	_ =	sdelay $0x3  }
0x94: {  	_ =	strace s3  }
0x95: {  	s3 =	sld [smem:$0x3FFD];
	_ =	sdelay $0x3  }
0x96: {  	_ =	strace s3  }
0x97: {  	_ =	strace $0x8FFFFFFF  }
0x98: {  	s19 =	sld [smem:$0x3FDB];
	_ =	sdelay $0x1  }
0x99: {  	s4 =	simm.s32 $_scs_section_size  }
0x9a: {  	s5 =	simm.s32 $_size__tile_overlayer_lowered;
	s6 =	simm.s32 $_tile_overlayer_lowered  }
0x9b: {  	s22 =	simm.s32 $0x1BFF;
	s21 =	sshll.u32 s6, $0x1;
	s3 =	sadd.s32 s4, s19  }
0x9c: {  	s7 =	simm.s32 $0x0;
	s20 =	sshll.u32 s5, $0x1;
	s5 =	sadd.s32 s21, s3  }
0x9d: {  	[timem:s7], [sflag:s22] =	dma.local [hbm:s5], s20  }
0x9e: {  	_ =	swait.ge [sflag:s22], s20  }
0x9f: {  	s4 =	ssub.s32 $0x0, s20;
	[sflag:s22] =	ssyncset.done $0x0  }
0xa0: {  	[sflag:s22] =	ssyncadd.s32 s4;
	_ =	sdelay $0x1  }
0xa1: {  	s23 =	simm.s32 $0x1B8B  }
0xa2: {  	_ =	swait.ge [sflag:s23], $0x1  }
0xa3: {  	[sflag:s23] =	ssyncset.done $0x0  }
0xa4: {  	s25 =	simm.s32 $0x1B8E;
	s24 =	sld [smem:$0x3FFE];
	[sflag:s23] =	ssyncadd.s32 $0xFFFFFFFF  }
0xa5: {  	s26 =	simm.s32 $execute0_lowered;
	[smem:$0x3FD2] =	sst s25  }
0xa6: {  	s5 =	sshll.u32 s26, $0x1;
	_ =	strace $0x80000046;
	[dreg:$0x1] =	wrdreg $0xFFFFFFFF  }
0xa7: {  	s28 =	simm.s32 $_size_execute0_lowered;
	s3 =	sadd.s32 s3, s5;
	[dreg:$0x0] =	wrdreg $0x0  }
0xa8: {  	s5 =	sshll.u32 s28, $0x1;
	[dreg:$0x2] =	wrdreg s3  }
0xa9: {  	[dreg:$0x3] =	wrdreg s5  }
0xaa: {  	[dreg:$0x4] =	wrdreg $0xC0  }
0xab: {  	_ =	task [dreg:s7], $0x5FFFF  }
0xac: {  	[dreg:$0x1] =	wrdreg $0xFFFFFFFF  }
0xad: {  	[dreg:$0x0] =	wrdreg $0x60  }
0xae: {  	[dreg:$0x2] =	wrdreg s2  }
0xaf: {  	[dreg:$0x3] =	wrdreg s24  }
0xb0: {  	[dreg:$0x4] =	wrdreg $0x9  }
0xb1: {  	_ =	task.clear_ibuf [dreg:s7], $0x5FFFF;
	_ =	strace $0x90000046  }
0xb2: {  	s29 =	simm.s32 $0x9;
	_ =	strace $0x80000048  }
0xb3: {  	_ =	swait.ge [sflag:s29], $0x1  }
0xb4: {  	[sflag:s29] =	ssyncadd.s32 $0xFFFFFFFF  }
0xb5: {  	_ =	strace $0x90000048  }
0xb6: {  	_ =	sfence  }
0xb7: {  	s30 =	sld [smem:$0x0];
	_ =	sdelay $0x2  }
0xb8: {  	s31 =	sshll.u32 s1, $0xD;
	s1 =	sshrl.u32 s1, $0x2  }
0xb9: {  	s3 =	sand.u32 $0x4000, s31;
	s1 =	sadd.s32 s1, s30  }
0xba: {  	s0 =	sor.u32 s3, s0;
	s1 =	sshll.u32 s1, $0x11  }
0xbb: {  	s0 =	sor.u32 s1, s0  }
0xbc: {  	s0 =	sadd.s32 $0x8F2B, s0  }
0xbd: {  	[sflag:s0] =	ssyncadd.remote.s32 $0x1  }
0xbe: {  	_ =	sfence.sel $0xFFFF  }
0xbf: {  	[dreg:$0x0] =	wrdreg $0xFFFFFFFF;
	(pc) =	sbr.abs _section_cstart, $3  }
0xc0: {  	[dreg:$0x1] =	wrdreg $0xFFFFFFFF  }
0xc1: {  	_ =	task.clear_ibuf [dreg:s7], $0x2FFFF;
	_ =	strace $0x9FFFFFFF  }
0xc2: {  	(tm) =	ssettm $0x7FFFFFFF  }
0xc3: {  	_ =	shalt  }
tec
execute0_lowered:
.L_overlay_start_1:
0x0: {  	(tag) =	ssettag $0x1  }
0x1: {  	s4 =	rddreg [dreg:$0x0]  }
0x2: {  	s3 =	rddreg [dreg:$0x1]  }
0x3: {  	s0 =	rddreg [dreg:$0x2];
	s5 =	srdreg.scid  }
0x4: {  	s2 =	simm.s32 $0x0;
	s1 =	stileid.u32;
	s9 =	simm.s32 $0x80  }
0x5: {  	s10 =	simm.s32 $0x1;
	s11 =	simm.s32 $0x0;
	s5 =	sand.u32 $0x1, s5  }
0x6: {  	[smem:$0x7FF] =	sst s2;
	s6 =	sshll.u32 s1, $0xA;
	s7 =	sshll.u32 s5, $0x9  }
0x7: {  	_ =	strace $0x80000047;
	s5 =	ssub.s32 $0x2, s5;
	s6 =	sor.u32 s7, s6  }
0x8: {  	s8 =	sshrl.u32 s5, $0x1;
	s7 =	sadd.s32 s6, s3;
	s3 =	sadd.s32 $0x2000, s3  }
0x9: {  	s8 =	ssub.s32 s5, s8;
	s4 =	sadd.s32 s4, s6;
	s5 =	sadd.s32 $0x202000, s7  }
0xa: {  	s6 =	smax.u32 s8, $0x1;
	s7 =	simm.s32 $0x2;
	s8 =	simm.s32 $0x1000  }
.LBB2_1:
0xb: {  	[tilespmem:s2], [sflag:$0x2] =	stream.linear.gather [hbm4b:s4+s2], $0x1000, $0x38;
	[tilespmem:$0x2000] =	vst v63  }
0xc: {  	_ =	swait.ge [sflag:s7], $0x1000  }
0xd: {  	[sflag:s7] =	ssyncset.done $0x0  }
0xe: {  	[sflag:s7] =	ssyncadd.s32 $0xFFFFF000  }
0xf: {  	[tilespmem:s8], [sflag:$0x2] =	stream.linear.gather [hbm4b:s5+s2], $0x1000, $0x38;
	[tilespmem:$0x2000] =	vst v63  }
0x10: {  	_ =	swait.ge [sflag:s7], $0x1000  }
0x11: {  	s12 =	simm.s32 $0x200;
	[sflag:s7] =	ssyncset.done $0x0  }
0x12: {  	s13 =	simm.s32 $0x0;
	s14 =	simm.s32 $0x1000;
	[sflag:s7] =	ssyncadd.s32 $0xFFFFF000  }
.LBB2_2:
0x13: {  	[hbm4b:s3+s9] =	stream.indirect.scatter [tilespmem:s14], [sflag:$0x1], $0x1, s13, s9, $0xb8;
	[tilespmem:$0x2000] =	vst v63  }
0x14: {  	s13 =	smov.u32 s12;
	p0 =	sne.s32 s12, $0x3E00  }
.Ltmp0:
0x15: {  	s12 =	sadd.s32 $0x200, s12;
	(pc) =	sbr.rel @p0 .LBB2_2-.Ltmp0, $3  }
0x16: {  	_ =	sdelay $0x1  }
0x17: {  	s13 =	sshra.s32 s13, $0x2  }
0x18: {  	s14 =	sadd.s32 $0x1000, s13  }
0x19: {  	[hbm4b:s3+s9] =	stream.indirect.scatter [tilespmem:s14], [sflag:$0x1], $0x1, s13, s9, $0xb8;
	[tilespmem:$0x2000] =	vst v63  }
0x1a: {  	_ =	swait.ge [sflag:s10], $0x80  }
0x1b: {  	[sflag:s10] =	ssyncset.done $0x0  }
0x1c: {  	[sflag:s10] =	ssyncadd.s32 $0xFFFFFF80  }
0x1d: {  	_ =	swait.ge [sflag:s10], $0x80  }
0x1e: {  	[sflag:s10] =	ssyncset.done $0x0  }
0x1f: {  	[sflag:s10] =	ssyncadd.s32 $0xFFFFFF80  }
0x20: {  	_ =	swait.ge [sflag:s10], $0x80  }
0x21: {  	[sflag:s10] =	ssyncset.done $0x0  }
0x22: {  	[sflag:s10] =	ssyncadd.s32 $0xFFFFFF80  }
0x23: {  	_ =	swait.ge [sflag:s10], $0x80  }
0x24: {  	[sflag:s10] =	ssyncset.done $0x0  }
0x25: {  	[sflag:s10] =	ssyncadd.s32 $0xFFFFFF80  }
0x26: {  	_ =	swait.ge [sflag:s10], $0x80  }
0x27: {  	[sflag:s10] =	ssyncset.done $0x0  }
0x28: {  	[sflag:s10] =	ssyncadd.s32 $0xFFFFFF80  }
0x29: {  	_ =	swait.ge [sflag:s10], $0x80  }
0x2a: {  	[sflag:s10] =	ssyncset.done $0x0  }
0x2b: {  	[sflag:s10] =	ssyncadd.s32 $0xFFFFFF80  }
0x2c: {  	_ =	swait.ge [sflag:s10], $0x80  }
0x2d: {  	[sflag:s10] =	ssyncset.done $0x0  }
0x2e: {  	[sflag:s10] =	ssyncadd.s32 $0xFFFFFF80  }
0x2f: {  	_ =	swait.ge [sflag:s10], $0x80  }
0x30: {  	[sflag:s10] =	ssyncset.done $0x0  }
0x31: {  	[sflag:s10] =	ssyncadd.s32 $0xFFFFFF80  }
0x32: {  	_ =	swait.ge [sflag:s10], $0x80  }
0x33: {  	[sflag:s10] =	ssyncset.done $0x0  }
0x34: {  	[sflag:s10] =	ssyncadd.s32 $0xFFFFFF80  }
0x35: {  	_ =	swait.ge [sflag:s10], $0x80  }
0x36: {  	[sflag:s10] =	ssyncset.done $0x0  }
0x37: {  	[sflag:s10] =	ssyncadd.s32 $0xFFFFFF80  }
0x38: {  	_ =	swait.ge [sflag:s10], $0x80  }
0x39: {  	[sflag:s10] =	ssyncset.done $0x0  }
0x3a: {  	[sflag:s10] =	ssyncadd.s32 $0xFFFFFF80  }
0x3b: {  	_ =	swait.ge [sflag:s10], $0x80  }
0x3c: {  	[sflag:s10] =	ssyncset.done $0x0  }
0x3d: {  	[sflag:s10] =	ssyncadd.s32 $0xFFFFFF80  }
0x3e: {  	_ =	swait.ge [sflag:s10], $0x80  }
0x3f: {  	[sflag:s10] =	ssyncset.done $0x0  }
0x40: {  	[sflag:s10] =	ssyncadd.s32 $0xFFFFFF80  }
0x41: {  	_ =	swait.ge [sflag:s10], $0x80  }
0x42: {  	[sflag:s10] =	ssyncset.done $0x0  }
0x43: {  	[sflag:s10] =	ssyncadd.s32 $0xFFFFFF80  }
0x44: {  	_ =	swait.ge [sflag:s10], $0x80  }
0x45: {  	[sflag:s10] =	ssyncset.done $0x0  }
0x46: {  	[sflag:s10] =	ssyncadd.s32 $0xFFFFFF80  }
0x47: {  	_ =	swait.ge [sflag:s10], $0x80  }
0x48: {  	[sflag:s10] =	ssyncset.done $0x0  }
0x49: {  	[sflag:s10] =	ssyncadd.s32 $0xFFFFFF80  }
0x4a: {  	_ =	swait.ge [sflag:s10], $0x80  }
0x4b: {  	[sflag:s10] =	ssyncset.done $0x0  }
0x4c: {  	[sflag:s10] =	ssyncadd.s32 $0xFFFFFF80  }
0x4d: {  	_ =	swait.ge [sflag:s10], $0x80  }
0x4e: {  	[sflag:s10] =	ssyncset.done $0x0  }
0x4f: {  	[sflag:s10] =	ssyncadd.s32 $0xFFFFFF80  }
0x50: {  	_ =	swait.ge [sflag:s10], $0x80  }
0x51: {  	[sflag:s10] =	ssyncset.done $0x0  }
0x52: {  	[sflag:s10] =	ssyncadd.s32 $0xFFFFFF80  }
0x53: {  	_ =	swait.ge [sflag:s10], $0x80  }
0x54: {  	[sflag:s10] =	ssyncset.done $0x0  }
0x55: {  	[sflag:s10] =	ssyncadd.s32 $0xFFFFFF80  }
0x56: {  	_ =	swait.ge [sflag:s10], $0x80  }
0x57: {  	[sflag:s10] =	ssyncset.done $0x0  }
0x58: {  	[sflag:s10] =	ssyncadd.s32 $0xFFFFFF80  }
0x59: {  	_ =	swait.ge [sflag:s10], $0x80  }
0x5a: {  	[sflag:s10] =	ssyncset.done $0x0  }
0x5b: {  	[sflag:s10] =	ssyncadd.s32 $0xFFFFFF80  }
0x5c: {  	_ =	swait.ge [sflag:s10], $0x80  }
0x5d: {  	[sflag:s10] =	ssyncset.done $0x0  }
0x5e: {  	[sflag:s10] =	ssyncadd.s32 $0xFFFFFF80  }
0x5f: {  	_ =	swait.ge [sflag:s10], $0x80  }
0x60: {  	[sflag:s10] =	ssyncset.done $0x0  }
0x61: {  	[sflag:s10] =	ssyncadd.s32 $0xFFFFFF80  }
0x62: {  	_ =	swait.ge [sflag:s10], $0x80  }
0x63: {  	[sflag:s10] =	ssyncset.done $0x0  }
0x64: {  	[sflag:s10] =	ssyncadd.s32 $0xFFFFFF80  }
0x65: {  	_ =	swait.ge [sflag:s10], $0x80  }
0x66: {  	[sflag:s10] =	ssyncset.done $0x0  }
0x67: {  	[sflag:s10] =	ssyncadd.s32 $0xFFFFFF80  }
0x68: {  	_ =	swait.ge [sflag:s10], $0x80  }
0x69: {  	[sflag:s10] =	ssyncset.done $0x0  }
0x6a: {  	[sflag:s10] =	ssyncadd.s32 $0xFFFFFF80  }
0x6b: {  	_ =	swait.ge [sflag:s10], $0x80  }
0x6c: {  	[sflag:s10] =	ssyncset.done $0x0  }
0x6d: {  	[sflag:s10] =	ssyncadd.s32 $0xFFFFFF80  }
0x6e: {  	_ =	swait.ge [sflag:s10], $0x80  }
0x6f: {  	[sflag:s10] =	ssyncset.done $0x0  }
0x70: {  	[sflag:s10] =	ssyncadd.s32 $0xFFFFFF80  }
0x71: {  	_ =	swait.ge [sflag:s10], $0x80  }
0x72: {  	[sflag:s10] =	ssyncset.done $0x0  }
0x73: {  	s11 =	sadd.s32 $0x1, s11;
	[sflag:s10] =	ssyncadd.s32 $0xFFFFFF80  }
0x74: {  	p0 =	sne.s32 s11, s6;
	_ =	swait.ge [sflag:s10], $0x80  }
.Ltmp1:
0x75: {  	[sflag:s10] =	ssyncset.done $0x0;
	(pc) =	sbr.rel @p0 .LBB2_1-.Ltmp1, $4  }
0x76: {  	[sflag:s10] =	ssyncadd.s32 $0xFFFFFF80  }
0x77: {  	_ =	swait.ge [sflag:s10], $0x80  }
0x78: {  	[sflag:s10] =	ssyncset.done $0x0  }
0x79: {  	[sflag:s10] =	ssyncadd.s32 $0xFFFFFF80  }
0x7a: {  	_ =	sfence.sel $0x180000  }
0x7b: {  	[bflag:$0x0] =	sbarrier.arrive $0xFFFF  }
0x7c: {  	p0 =	sne.s32 s1, $0x0;
	_ =	strace $0x90000047  }
0x7d: {  	s0 =	sadd.s32 @!p0 $0x100000, s0;
	[bflag:$0x2] =	sbarrier.arrive $0xFFFF  }
0x7e: {  	[sflag:s0] =	ssyncadd.tile.s32 @!p0 $0x1;
	_ =	shalt  }
.Lfunc_end2:
_tile_overlayer_lowered:
.L_overlay_start_2:
0x7f: {  	(tag) =	ssettag $0x2  }
0x80: {  	s0 =	rddreg [dreg:$0x0];
	s2 =	stileid.u32  }
0x81: {  	s1 =	rddreg [dreg:$0x1];
	p0 =	sne.s32 s2, $0x0  }
0x82: {  	s3 =	rddreg [dreg:$0x2];
	[bflag:$0x3] =	sbarrier.arrive $0xFFFF;
	s2 =	simm.s32 @!p0 $0x1C02  }
0x83: {  	[timem:s3], [sflag:s2] =	dma.local @!p0 [hbm:s0], s1  }
0x84: {  	s0 =	simm.s32 @!p0 $0x2  }
0x85: {  	_ =	swait.ge @!p0 [sflag:s0], s1  }
0x86: {  	s1 =	ssub.s32 @!p0 $0x0, s1;
	[sflag:s0] =	ssyncset.done @!p0 $0x0  }
0x87: {  	[sflag:s0] =	ssyncadd.s32 @!p0 s1  }
0x88: {  	[bflag:$0x3] =	sbarrier.arrive $0xFFFF  }
0x89: {  	_ =	shalt  }

// kernel: sc_scatter_overwrite_1.8.cloned.1.call-start
scs
__scs_entry_jumppad:
0x0: {  	(pc) =	sbr.rel $0x88, $3  }
0x1: {  	(tag) =	ssettag $0x0;
	lr =	simm.s32 $0x1  }
0x2: {  	[smem:$0x3F9E] =	sst lr;
	_ =	strace $0xD0000000  }
0x3: {  	_ = 	snop  }
0x4: {  	_ = 	snop  }
0x5: {  	_ = 	snop  }
0x6: {  	_ = 	snop  }
0x7: {  	_ = 	snop  }
__scs_overlays_trampoline_lowered:
0x8: {  	[smem:$0x3FAD] =	sst s0  }
0x9: {  	[smem:$0x3FAE] =	sst s1  }
0xa: {  	[smem:$0x3FAF] =	sst s2  }
0xb: {  	[smem:$0x3FB0] =	sst s3  }
0xc: {  	[smem:$0x3FB1] =	sst s4  }
0xd: {  	[smem:$0x3FB2] =	sst s5  }
0xe: {  	[smem:$0x3FB3] =	sst s6  }
0xf: {  	[smem:$0x3FB4] =	sst s7  }
0x10: {  	[smem:$0x3FB5] =	sst s8  }
0x11: {  	[smem:$0x3FB6] =	sst s9;
	s0 =	simm.s32 @!p0 $0x0  }
0x12: {  	s1 =	sld [smem:$0x3F9C];
	s0 =	simm.s32 @p0 $0x1  }
0x13: {  	[smem:$0x3FB7] =	sst s0;
	s0 =	simm.s32 @!p1 $0x0  }
0x14: {  	s2 =	sld [smem:$0x3F9B];
	s0 =	simm.s32 @p1 $0x1  }
0x15: {  	[smem:$0x3FB8] =	sst s0;
	s0 =	simm.s32 @!p2 $0x0  }
0x16: {  	s3 =	sld [smem:$0x3FDB];
	s0 =	simm.s32 @p2 $0x1  }
0x17: {  	s4 =	simm.s32 $0x1BF5;
	[smem:$0x3FBA] =	sst s0  }
0x18: {  	s0 =	sld [smem:$0x3F9D];
	_ =	swait.ge [sflag:s4], $0x0  }
0x19: {  	s7 =	sld [smem:$0x3F9E]  }
0x1a: {  	s8 =	sadd.s32 $0xFFFFE003, lr  }
0x1b: {  	s9 =	sadd.s32 $0xFFFFFEF7, lr;
	s5 =	simm.s32 $0xFFFFFFFF;
	p2 =	slt.u32 s8, $0xFFFFF086  }
0x1c: {  	p1 =	slt.u32 s9, $0xF7A;
	s5 =	simm.s32 @!p2 $0x0  }
0x1d: {  	s5 =	simm.s32 @p1 $0x1;
	p0 =	seq.s32 s7, s2  }
0x1e: {  	s7 =	smul.u32 @!p0 $0xF7A, s2;
	p2 =	seq.s32 @!p0 s5, $0x0  }
0x1f: {  	s9 =	smul.u32 $0xF7A, s1;
	s8 =	simm.s32 @!p0 $0x1BF5;
	p2 =	por !p2, p0  }
0x20: {  	[sflag:s8] =	ssyncset.s32 @!p0 $0xFFFFF086;
	s6 =	sadd.s32 @!p0 s3, s7;
	s7 =	simm.s32 @!p0 $0x108  }
0x21: {  	s3 =	sadd.s32 s3, s9;
	s6 =	sadd.s32 @!p0 $0x88, s6;
	s7 =	simm.s32 @p2 $0x1082  }
0x22: {  	[simem:s7], [sflag:s8] =	dma.local @!p0 [hbm:s6], $0xF7A  }
0x23: {  	s9 =	sor.u32 $0xD0000000, s2;
	s6 =	simm.s32 $0x108;
	_ =	swait.ge @!p0 [sflag:s8], $0x0  }
0x24: {  	s3 =	sadd.s32 $0x88, s3;
	s6 =	simm.s32 @!p1 $0x1082;
	[sflag:s4] =	ssyncset.s32 $0xFFFFF086  }
0x25: {  	[simem:s6], [sflag:s4] =	dma.local [hbm:s3], $0xF7A  }
0x26: {  	[smem:$0x3F9E] =	sst s1;
	(tag) =	ssettag s2;
	_ =	strace s9  }
0x27: {  	s1 =	sld [smem:$0x3FAE]  }
0x28: {  	s2 =	sld [smem:$0x3FAF]  }
0x29: {  	s4 =	sld [smem:$0x3FB1]  }
0x2a: {  	p0 =	seq.s32 s5, $0x0;
	s5 =	sld [smem:$0x3FB2]  }
0x2b: {  	s6 =	sld [smem:$0x3FB3]  }
0x2c: {  	s7 =	sld [smem:$0x3FB4]  }
0x2d: {  	s3 =	simm.s32 $0x108;
	s8 =	sld [smem:$0x3FB5]  }
0x2e: {  	s3 =	simm.s32 @!p0 $0x1082;
	s9 =	sld [smem:$0x3FB6]  }
0x2f: {  	lr =	sadd.s32 s0, s3;
	s0 =	sld [smem:$0x3FAD]  }
0x30: {  	s3 =	sld [smem:$0x3FB0]  }
0x31: {  	[smem:$0x3FB9] =	sst s10  }
0x32: {  	s10 =	sld [smem:$0x3FB7];
	_ =	sdelay $0x3  }
0x33: {  	p0 =	seq.s32 s10, $0x1;
	s10 =	sld [smem:$0x3FB9];
	_ =	sdelay $0x3  }
0x34: {  	[smem:$0x3FB9] =	sst s10  }
0x35: {  	s10 =	sld [smem:$0x3FB8];
	_ =	sdelay $0x3  }
0x36: {  	p1 =	seq.s32 s10, $0x1;
	s10 =	sld [smem:$0x3FB9];
	_ =	sdelay $0x3  }
0x37: {  	[smem:$0x3FB9] =	sst s10  }
0x38: {  	s10 =	sld [smem:$0x3FBA]  }
0x39: {  	_ = 	snop;
	(pc) =	sbr.ind lr, $3  }
0x3a: {  	_ = 	snop  }
0x3b: {  	_ = 	snop  }
0x3c: {  	p2 =	seq.s32 s10, $0x1;
	s10 =	sld [smem:$0x3FB9]  }
0x3d: {  	_ =	shalt  }
0x3e: {  	_ =	shalt  }
0x3f: {  	_ =	shalt  }
0x40: {  	_ =	shalt  }
0x41: {  	_ =	shalt  }
0x42: {  	_ =	shalt  }
0x43: {  	_ =	shalt  }
0x44: {  	_ =	shalt  }
0x45: {  	_ =	shalt  }
0x46: {  	_ =	shalt  }
0x47: {  	_ =	shalt  }
0x48: {  	_ =	shalt  }
0x49: {  	_ =	shalt  }
0x4a: {  	_ =	shalt  }
0x4b: {  	_ =	shalt  }
0x4c: {  	_ =	shalt  }
0x4d: {  	_ =	shalt  }
0x4e: {  	_ =	shalt  }
0x4f: {  	_ =	shalt  }
0x50: {  	_ =	shalt  }
0x51: {  	_ =	shalt  }
0x52: {  	_ =	shalt  }
0x53: {  	_ =	shalt  }
0x54: {  	_ =	shalt  }
0x55: {  	_ =	shalt  }
0x56: {  	_ =	shalt  }
0x57: {  	_ =	shalt  }
0x58: {  	_ =	shalt  }
0x59: {  	_ =	shalt  }
0x5a: {  	_ =	shalt  }
0x5b: {  	_ =	shalt  }
0x5c: {  	_ =	shalt  }
0x5d: {  	_ =	shalt  }
0x5e: {  	_ =	shalt  }
0x5f: {  	_ =	shalt  }
0x60: {  	_ =	shalt  }
0x61: {  	_ =	shalt  }
0x62: {  	_ =	shalt  }
0x63: {  	_ =	shalt  }
0x64: {  	_ =	shalt  }
0x65: {  	_ =	shalt  }
0x66: {  	_ =	shalt  }
0x67: {  	_ =	shalt  }
0x68: {  	_ =	shalt  }
0x69: {  	_ =	shalt  }
0x6a: {  	_ =	shalt  }
0x6b: {  	_ =	shalt  }
0x6c: {  	_ =	shalt  }
0x6d: {  	_ =	shalt  }
0x6e: {  	_ =	shalt  }
0x6f: {  	_ =	shalt  }
0x70: {  	_ =	shalt  }
0x71: {  	_ =	shalt  }
0x72: {  	_ =	shalt  }
0x73: {  	_ =	shalt  }
0x74: {  	_ =	shalt  }
0x75: {  	_ =	shalt  }
0x76: {  	_ =	shalt  }
0x77: {  	_ =	shalt  }
0x78: {  	_ =	shalt  }
0x79: {  	_ =	shalt  }
0x7a: {  	_ =	shalt  }
0x7b: {  	_ =	shalt  }
0x7c: {  	_ =	shalt  }
0x7d: {  	_ =	shalt  }
0x7e: {  	_ =	shalt  }
0x7f: {  	_ =	shalt  }
0x80: {  	_ =	shalt  }
0x81: {  	_ =	shalt  }
0x82: {  	_ =	shalt  }
0x83: {  	_ =	shalt  }
0x84: {  	_ =	shalt  }
0x85: {  	_ =	shalt  }
0x86: {  	_ =	shalt  }
0x87: {  	_ =	shalt  }
.Lfunc_end0:
.L_simem_size_0:
called_computation.1_lowered:
.L_overlay_start_0:
0x88: {  	s2 =	sld [smem:$0x3FD9]  }
0x89: {  	s3 =	sld [smem:$0x3FFE];
	_ =	sdelay $0x1  }
0x8a: {  	s1 =	srdreg.scid  }
0x8b: {  	s0 =	sand.u32 $0x1, s1  }
0x8c: {  	s17 =	sshll.u32 s0, $0xA;
	s2 =	sadd.s32 s3, s2  }
0x8d: {  	s2 =	sadd.s32 s2, s17  }
0x8e: {  	[smem:$0x3FC5] =	sst s2  }
0x8f: {  	_ = 	snop  }
0x90: {  	(tm) =	ssettm $0x1  }
0x91: {  	s18 =	sld [smem:$0x3FFB];
	_ =	sdelay $0x3  }
0x92: {  	_ =	strace s18  }
0x93: {  	s2 =	sld [smem:$0x3FFC];
	_ =	sdelay $0x3  }
0x94: {  	_ =	strace s2  }
0x95: {  	s2 =	sld [smem:$0x3FFD];
	_ =	sdelay $0x3  }
0x96: {  	_ =	strace s2  }
0x97: {  	_ =	strace $0x8FFFFFFF  }
0x98: {  	s19 =	sld [smem:$0x3FDB];
	_ =	sdelay $0x1  }
0x99: {  	s20 =	simm.s32 $_scs_section_size  }
0x9a: {  	s4 =	simm.s32 $_size__tile_overlayer_lowered;
	s5 =	simm.s32 $_tile_overlayer_lowered  }
0x9b: {  	s6 =	simm.s32 $0x1BFF;
	s21 =	sshll.u32 s5, $0x1;
	s3 =	sadd.s32 s20, s19  }
0x9c: {  	s22 =	simm.s32 $0x0;
	s4 =	sshll.u32 s4, $0x1;
	s5 =	sadd.s32 s21, s3  }
0x9d: {  	[timem:s22], [sflag:s6] =	dma.local [hbm:s5], s4  }
0x9e: {  	_ =	swait.ge [sflag:s6], s4  }
0x9f: {  	s4 =	ssub.s32 $0x0, s4;
	[sflag:s6] =	ssyncset.done $0x0  }
0xa0: {  	[sflag:s6] =	ssyncadd.s32 s4;
	_ =	sdelay $0x1  }
0xa1: {  	s23 =	simm.s32 $0x1B8B  }
0xa2: {  	_ =	swait.ge [sflag:s23], $0x1  }
0xa3: {  	[sflag:s23] =	ssyncset.done $0x0  }
0xa4: {  	[sflag:s23] =	ssyncadd.s32 $0xFFFFFFFF  }
0xa5: {  	s4 =	sld [smem:$0x0]  }
0xa6: {  	s5 =	sand.u32 $0xFFFFFFFE, s1  }
0xa7: {  	p0 =	sne.s32 s1, s5  }
0xa8: {  	s5 =	sshll.u32 @p0 s5, $0xE  }
0xa9: {  	s5 =	sadd.s32 @p0 $0x11B8D, s5;
	s6 =	sshll.u32 @p0 s4, $0x11  }
0xaa: {  	s5 =	sor.u32 @p0 s6, s5  }
0xab: {  	[sflag:s5] =	ssyncadd.remote.s32 @p0 $0x1;
	_ =	sdelay $0x1  }
0xac: {  	s5 =	simm.s32 @p0 $0x1B8D  }
0xad: {  	_ =	swait.eq @p0 [sflag:s5], $0x1  }
0xae: {  	[sflag:s5] =	ssyncadd.s32 @p0 $0xFFFFFFFF  }
0xaf: {  	s6 =	sshll.u32 @!p0 s1, $0xE  }
0xb0: {  	s6 =	sor.u32 @!p0 $0x4000, s6;
	s5 =	simm.s32 @!p0 $0x1B8D  }
0xb1: {  	s4 =	sshll.u32 @!p0 s4, $0x11;
	s6 =	sadd.s32 @!p0 $0x11B8D, s6;
	_ =	swait.eq @!p0 [sflag:s5], $0x1  }
0xb2: {  	s4 =	sor.u32 @!p0 s4, s6;
	[sflag:s5] =	ssyncadd.s32 @!p0 $0xFFFFFFFF  }
0xb3: {  	s25 =	simm.s32 $0x1B8E;
	s24 =	sld [smem:$0x3FFE];
	[sflag:s4] =	ssyncadd.remote.s32 @!p0 $0x1  }
0xb4: {  	s26 =	simm.s32 $execute0_lowered;
	[smem:$0x3FD2] =	sst s25  }
0xb5: {  	s5 =	sshll.u32 s26, $0x1;
	_ =	strace $0x80000049;
	[dreg:$0x1] =	wrdreg $0xFFFFFFFF  }
0xb6: {  	s28 =	simm.s32 $_size_execute0_lowered;
	s3 =	sadd.s32 s3, s5;
	[dreg:$0x0] =	wrdreg $0x0  }
0xb7: {  	s5 =	sshll.u32 s28, $0x1;
	[dreg:$0x2] =	wrdreg s3  }
0xb8: {  	[dreg:$0x3] =	wrdreg s5  }
0xb9: {  	[dreg:$0x4] =	wrdreg $0xC0  }
0xba: {  	_ =	task [dreg:s22], $0x5FFFF  }
0xbb: {  	[dreg:$0x1] =	wrdreg $0xFFFFFFFF  }
0xbc: {  	[dreg:$0x0] =	wrdreg $0x60  }
0xbd: {  	[dreg:$0x2] =	wrdreg s24  }
0xbe: {  	[dreg:$0x3] =	wrdreg $0xA  }
0xbf: {  	_ =	task.clear_ibuf [dreg:s22], $0x4FFFF;
	_ =	strace $0x90000049  }
0xc0: {  	s29 =	simm.s32 $0xA;
	_ =	strace $0x8000004B  }
0xc1: {  	_ =	swait.ge [sflag:s29], $0x1  }
0xc2: {  	[sflag:s29] =	ssyncadd.s32 $0xFFFFFFFF  }
0xc3: {  	_ =	strace $0x9000004B  }
0xc4: {  	_ =	sfence  }
0xc5: {  	s30 =	sld [smem:$0x0];
	_ =	sdelay $0x2  }
0xc6: {  	s31 =	sshll.u32 s1, $0xD;
	s1 =	sshrl.u32 s1, $0x2  }
0xc7: {  	s4 =	sand.u32 $0x4000, s31;
	s1 =	sadd.s32 s1, s30  }
0xc8: {  	s0 =	sor.u32 s4, s0;
	s1 =	sshll.u32 s1, $0x11  }
0xc9: {  	s0 =	sor.u32 s1, s0  }
0xca: {  	s0 =	sadd.s32 $0x8F2B, s0  }
0xcb: {  	[sflag:s0] =	ssyncadd.remote.s32 $0x1  }
0xcc: {  	_ =	sfence.sel $0xFFFF  }
0xcd: {  	[dreg:$0x0] =	wrdreg $0xFFFFFFFF;
	(pc) =	sbr.abs _section_cstart, $3  }
0xce: {  	[dreg:$0x1] =	wrdreg $0xFFFFFFFF  }
0xcf: {  	_ =	task.clear_ibuf [dreg:s22], $0x2FFFF;
	_ =	strace $0x9FFFFFFF  }
0xd0: {  	(tm) =	ssettm $0x7FFFFFFF  }
0xd1: {  	_ =	shalt  }
tec
execute0_lowered:
.L_overlay_start_1:
0x0: {  	(tag) =	ssettag $0x1  }
0x1: {  	s3 =	rddreg [dreg:$0x0]  }
0x2: {  	s0 =	rddreg [dreg:$0x1];
	s4 =	srdreg.scid  }
0x3: {  	s2 =	simm.s32 $0x0;
	s1 =	stileid.u32;
	s7 =	simm.s32 $0x2  }
0x4: {  	s8 =	simm.s32 $0x1000;
	s9 =	simm.s32 $0x80;
	s10 =	simm.s32 $0x1  }
0x5: {  	s11 =	simm.s32 $0x0;
	s4 =	sand.u32 $0x1, s4;
	[smem:$0x7FF] =	sst s2  }
0x6: {  	s5 =	sshll.u32 s1, $0xA;
	s6 =	sshll.u32 s4, $0x9;
	s4 =	ssub.s32 $0x2, s4  }
0x7: {  	_ =	strace $0x8000004A;
	s5 =	sor.u32 s6, s5;
	s31 =	sshrl.u32 s4, $0x1  }
0x8: {  	s5 =	sadd.s32 s5, s3;
	s3 =	sadd.s32 $0x216000, s3;
	s6 =	ssub.s32 s4, s31  }
0x9: {  	s4 =	sadd.s32 $0x20A000, s5;
	s5 =	sadd.s32 $0x212000, s5;
	s6 =	smax.u32 s6, $0x1  }
.LBB2_1:
0xa: {  	[tilespmem:s2], [sflag:$0x2] =	stream.linear.gather [hbm4b:s4+s2], $0x1000, $0x38;
	[tilespmem:$0x2000] =	vst v63  }
0xb: {  	_ =	swait.ge [sflag:s7], $0x1000  }
0xc: {  	[sflag:s7] =	ssyncset.done $0x0  }
0xd: {  	[sflag:s7] =	ssyncadd.s32 $0xFFFFF000  }
0xe: {  	[tilespmem:s8], [sflag:$0x2] =	stream.linear.gather [hbm4b:s5+s2], $0x1000, $0x38;
	[tilespmem:$0x2000] =	vst v63  }
0xf: {  	_ =	swait.ge [sflag:s7], $0x1000  }
0x10: {  	s12 =	simm.s32 $0x200;
	[sflag:s7] =	ssyncset.done $0x0  }
0x11: {  	s13 =	simm.s32 $0x0;
	s14 =	simm.s32 $0x1000;
	[sflag:s7] =	ssyncadd.s32 $0xFFFFF000  }
.LBB2_2:
0x12: {  	[hbm4b:s3+s9] =	stream.indirect.scatter [tilespmem:s14], [sflag:$0x1], $0x1, s13, s9, $0xb8;
	[tilespmem:$0x2000] =	vst v63  }
0x13: {  	s13 =	smov.u32 s12;
	p0 =	sne.s32 s12, $0x3E00  }
.Ltmp0:
0x14: {  	s12 =	sadd.s32 $0x200, s12;
	(pc) =	sbr.rel @p0 .LBB2_2-.Ltmp0, $3  }
0x15: {  	_ =	sdelay $0x1  }
0x16: {  	s13 =	sshra.s32 s13, $0x2  }
0x17: {  	s14 =	sadd.s32 $0x1000, s13  }
0x18: {  	[hbm4b:s3+s9] =	stream.indirect.scatter [tilespmem:s14], [sflag:$0x1], $0x1, s13, s9, $0xb8;
	[tilespmem:$0x2000] =	vst v63  }
0x19: {  	_ =	swait.ge [sflag:s10], $0x80  }
0x1a: {  	[sflag:s10] =	ssyncset.done $0x0  }
0x1b: {  	[sflag:s10] =	ssyncadd.s32 $0xFFFFFF80  }
0x1c: {  	_ =	swait.ge [sflag:s10], $0x80  }
0x1d: {  	[sflag:s10] =	ssyncset.done $0x0  }
0x1e: {  	[sflag:s10] =	ssyncadd.s32 $0xFFFFFF80  }
0x1f: {  	_ =	swait.ge [sflag:s10], $0x80  }
0x20: {  	[sflag:s10] =	ssyncset.done $0x0  }
0x21: {  	[sflag:s10] =	ssyncadd.s32 $0xFFFFFF80  }
0x22: {  	_ =	swait.ge [sflag:s10], $0x80  }
0x23: {  	[sflag:s10] =	ssyncset.done $0x0  }
0x24: {  	[sflag:s10] =	ssyncadd.s32 $0xFFFFFF80  }
0x25: {  	_ =	swait.ge [sflag:s10], $0x80  }
0x26: {  	[sflag:s10] =	ssyncset.done $0x0  }
0x27: {  	[sflag:s10] =	ssyncadd.s32 $0xFFFFFF80  }
0x28: {  	_ =	swait.ge [sflag:s10], $0x80  }
0x29: {  	[sflag:s10] =	ssyncset.done $0x0  }
0x2a: {  	[sflag:s10] =	ssyncadd.s32 $0xFFFFFF80  }
0x2b: {  	_ =	swait.ge [sflag:s10], $0x80  }
0x2c: {  	[sflag:s10] =	ssyncset.done $0x0  }
0x2d: {  	[sflag:s10] =	ssyncadd.s32 $0xFFFFFF80  }
0x2e: {  	_ =	swait.ge [sflag:s10], $0x80  }
0x2f: {  	[sflag:s10] =	ssyncset.done $0x0  }
0x30: {  	[sflag:s10] =	ssyncadd.s32 $0xFFFFFF80  }
0x31: {  	_ =	swait.ge [sflag:s10], $0x80  }
0x32: {  	[sflag:s10] =	ssyncset.done $0x0  }
0x33: {  	[sflag:s10] =	ssyncadd.s32 $0xFFFFFF80  }
0x34: {  	_ =	swait.ge [sflag:s10], $0x80  }
0x35: {  	[sflag:s10] =	ssyncset.done $0x0  }
0x36: {  	[sflag:s10] =	ssyncadd.s32 $0xFFFFFF80  }
0x37: {  	_ =	swait.ge [sflag:s10], $0x80  }
0x38: {  	[sflag:s10] =	ssyncset.done $0x0  }
0x39: {  	[sflag:s10] =	ssyncadd.s32 $0xFFFFFF80  }
0x3a: {  	_ =	swait.ge [sflag:s10], $0x80  }
0x3b: {  	[sflag:s10] =	ssyncset.done $0x0  }
0x3c: {  	[sflag:s10] =	ssyncadd.s32 $0xFFFFFF80  }
0x3d: {  	_ =	swait.ge [sflag:s10], $0x80  }
0x3e: {  	[sflag:s10] =	ssyncset.done $0x0  }
0x3f: {  	[sflag:s10] =	ssyncadd.s32 $0xFFFFFF80  }
0x40: {  	_ =	swait.ge [sflag:s10], $0x80  }
0x41: {  	[sflag:s10] =	ssyncset.done $0x0  }
0x42: {  	[sflag:s10] =	ssyncadd.s32 $0xFFFFFF80  }
0x43: {  	_ =	swait.ge [sflag:s10], $0x80  }
0x44: {  	[sflag:s10] =	ssyncset.done $0x0  }
0x45: {  	[sflag:s10] =	ssyncadd.s32 $0xFFFFFF80  }
0x46: {  	_ =	swait.ge [sflag:s10], $0x80  }
0x47: {  	[sflag:s10] =	ssyncset.done $0x0  }
0x48: {  	[sflag:s10] =	ssyncadd.s32 $0xFFFFFF80  }
0x49: {  	_ =	swait.ge [sflag:s10], $0x80  }
0x4a: {  	[sflag:s10] =	ssyncset.done $0x0  }
0x4b: {  	[sflag:s10] =	ssyncadd.s32 $0xFFFFFF80  }
0x4c: {  	_ =	swait.ge [sflag:s10], $0x80  }
0x4d: {  	[sflag:s10] =	ssyncset.done $0x0  }
0x4e: {  	[sflag:s10] =	ssyncadd.s32 $0xFFFFFF80  }
0x4f: {  	_ =	swait.ge [sflag:s10], $0x80  }
0x50: {  	[sflag:s10] =	ssyncset.done $0x0  }
0x51: {  	[sflag:s10] =	ssyncadd.s32 $0xFFFFFF80  }
0x52: {  	_ =	swait.ge [sflag:s10], $0x80  }
0x53: {  	[sflag:s10] =	ssyncset.done $0x0  }
0x54: {  	[sflag:s10] =	ssyncadd.s32 $0xFFFFFF80  }
0x55: {  	_ =	swait.ge [sflag:s10], $0x80  }
0x56: {  	[sflag:s10] =	ssyncset.done $0x0  }
0x57: {  	[sflag:s10] =	ssyncadd.s32 $0xFFFFFF80  }
0x58: {  	_ =	swait.ge [sflag:s10], $0x80  }
0x59: {  	[sflag:s10] =	ssyncset.done $0x0  }
0x5a: {  	[sflag:s10] =	ssyncadd.s32 $0xFFFFFF80  }
0x5b: {  	_ =	swait.ge [sflag:s10], $0x80  }
0x5c: {  	[sflag:s10] =	ssyncset.done $0x0  }
0x5d: {  	[sflag:s10] =	ssyncadd.s32 $0xFFFFFF80  }
0x5e: {  	_ =	swait.ge [sflag:s10], $0x80  }
0x5f: {  	[sflag:s10] =	ssyncset.done $0x0  }
0x60: {  	[sflag:s10] =	ssyncadd.s32 $0xFFFFFF80  }
0x61: {  	_ =	swait.ge [sflag:s10], $0x80  }
0x62: {  	[sflag:s10] =	ssyncset.done $0x0  }
0x63: {  	[sflag:s10] =	ssyncadd.s32 $0xFFFFFF80  }
0x64: {  	_ =	swait.ge [sflag:s10], $0x80  }
0x65: {  	[sflag:s10] =	ssyncset.done $0x0  }
0x66: {  	[sflag:s10] =	ssyncadd.s32 $0xFFFFFF80  }
0x67: {  	_ =	swait.ge [sflag:s10], $0x80  }
0x68: {  	[sflag:s10] =	ssyncset.done $0x0  }
0x69: {  	[sflag:s10] =	ssyncadd.s32 $0xFFFFFF80  }
0x6a: {  	_ =	swait.ge [sflag:s10], $0x80  }
0x6b: {  	[sflag:s10] =	ssyncset.done $0x0  }
0x6c: {  	[sflag:s10] =	ssyncadd.s32 $0xFFFFFF80  }
0x6d: {  	_ =	swait.ge [sflag:s10], $0x80  }
0x6e: {  	[sflag:s10] =	ssyncset.done $0x0  }
0x6f: {  	[sflag:s10] =	ssyncadd.s32 $0xFFFFFF80  }
0x70: {  	_ =	swait.ge [sflag:s10], $0x80  }
0x71: {  	[sflag:s10] =	ssyncset.done $0x0  }
0x72: {  	s11 =	sadd.s32 $0x1, s11;
	[sflag:s10] =	ssyncadd.s32 $0xFFFFFF80  }
0x73: {  	p0 =	sne.s32 s11, s6;
	_ =	swait.ge [sflag:s10], $0x80  }
.Ltmp1:
0x74: {  	[sflag:s10] =	ssyncset.done $0x0;
	(pc) =	sbr.rel @p0 .LBB2_1-.Ltmp1, $4  }
0x75: {  	[sflag:s10] =	ssyncadd.s32 $0xFFFFFF80  }
0x76: {  	_ =	swait.ge [sflag:s10], $0x80  }
0x77: {  	[sflag:s10] =	ssyncset.done $0x0  }
0x78: {  	[sflag:s10] =	ssyncadd.s32 $0xFFFFFF80  }
0x79: {  	_ =	sfence.sel $0x180000  }
0x7a: {  	[bflag:$0x0] =	sbarrier.arrive $0xFFFF  }
0x7b: {  	p0 =	sne.s32 s1, $0x0;
	_ =	strace $0x9000004A  }
0x7c: {  	s0 =	sadd.s32 @!p0 $0x100000, s0;
	[bflag:$0x2] =	sbarrier.arrive $0xFFFF  }
0x7d: {  	[sflag:s0] =	ssyncadd.tile.s32 @!p0 $0x1;
	_ =	shalt  }
.Lfunc_end2:
_tile_overlayer_lowered:
.L_overlay_start_2:
0x7e: {  	(tag) =	ssettag $0x2  }
0x7f: {  	s0 =	rddreg [dreg:$0x0];
	s2 =	stileid.u32  }
0x80: {  	s1 =	rddreg [dreg:$0x1];
	p0 =	sne.s32 s2, $0x0  }
0x81: {  	s3 =	rddreg [dreg:$0x2];
	[bflag:$0x3] =	sbarrier.arrive $0xFFFF;
	s2 =	simm.s32 @!p0 $0x1C02  }
0x82: {  	[timem:s3], [sflag:s2] =	dma.local @!p0 [hbm:s0], s1  }
0x83: {  	s0 =	simm.s32 @!p0 $0x2  }
0x84: {  	_ =	swait.ge @!p0 [sflag:s0], s1  }
0x85: {  	s1 =	ssub.s32 @!p0 $0x0, s1;
	[sflag:s0] =	ssyncset.done @!p0 $0x0  }
0x86: {  	[sflag:s0] =	ssyncadd.s32 @!p0 s1  }
0x87: {  	[bflag:$0x3] =	sbarrier.arrive $0xFFFF  }
0x88: {  	_ =	shalt  }

</sc_bundles>
